<compile_context>
chip_gen: v7x
topology: tpu7x:2x2x1
jax: 0.10.2.dev20260603
libtpu: 0.0.44.dev20260713+nightly
codegen_flags: <defaults>
</compile_context>

<pallas_src>
import functools

import jax
import jax.numpy as jnp
from jax import lax
from jax.experimental import pallas as pl
from jax.experimental.pallas import tpu as pltpu
from jax.experimental.pallas import tpu_sc as plsc

_EPS = 1e-7
_LN2 = 0.6931471805599453
_SQRT2 = 1.4142135623730951

_N = 36864
_NS, _L = 16, 16
_NA = _N // _NS
_ND = 4 * _NA
_TILE = 2 * _ND + 2 * _NA
_OD0, _TD0, _OS0, _TS0 = 0, _ND, 2 * _ND, 2 * _ND + _NA
_PAC = _TILE


def _log16(x):
    bits = lax.bitcast_convert_type(x, jnp.int32)
    e = lax.shift_right_logical(bits, 23) - 127
    m = lax.bitcast_convert_type((bits & 0x007FFFFF) | 0x3F800000, jnp.float32)
    big = m > _SQRT2
    m = jnp.where(big, m * 0.5, m)
    e = e + jnp.where(big, 1, 0)
    s = (m - 1.0) / (m + 1.0)
    z = s * s
    p = 1.0 + z * (1.0 / 3.0 + z * (1.0 / 5.0 + z * (1.0 / 7.0 + z * (1.0 / 9.0))))
    return e.astype(jnp.float32) * _LN2 + 2.0 * s * p


@functools.partial(
    pl.kernel,
    out_type=jax.ShapeDtypeStruct((_NS * 4 * _L,), jnp.float32),
    mesh=plsc.VectorSubcoreMesh(
        core_axis_name="c", subcore_axis_name="s",
        num_cores=1, num_subcores=_NS,
    ),
    scratch_types=[
        pltpu.VMEM((_TILE + 4 * _L,), jnp.float32),
        pltpu.SemaphoreType.DMA,
    ],
)
def _sc_partials(od_hbm, td_hbm, os_hbm, ts_hbm, part_hbm, buf_v, sem):
    sid = lax.axis_index("s")
    c0 = pltpu.async_copy(
        od_hbm.at[pl.ds(sid * _ND, _ND)], buf_v.at[pl.ds(_OD0, _ND)], sem)
    c1 = pltpu.async_copy(
        td_hbm.at[pl.ds(sid * _ND, _ND)], buf_v.at[pl.ds(_TD0, _ND)], sem)
    c2 = pltpu.async_copy(
        os_hbm.at[pl.ds(sid * _NA, _NA)], buf_v.at[pl.ds(_OS0, _NA)], sem)
    c3 = pltpu.async_copy(
        ts_hbm.at[pl.ds(sid * _NA, _NA)], buf_v.at[pl.ds(_TS0, _NA)], sem)
    c0.wait()
    c1.wait()
    c2.wait()
    c3.wait()

    zeros = jnp.zeros((_L,), jnp.float32)
    lane = lax.broadcasted_iota(jnp.int32, (_L,), 0)

    def body(k, carry):
        bce_a, nv_a, ps_a, reg_a = carry
        o_raw = buf_v[pl.ds(_OS0 + k * _L, _L)]
        t = buf_v[pl.ds(_TS0 + k * _L, _L)]
        o = jnp.clip(o_raw, _EPS, 1.0 - _EPS)
        bce = -(t * _log16(o) + (1.0 - t) * _log16(1.0 - o))
        valid = t != -1.0
        bce_a = bce_a + jnp.where(valid, bce, 0.0)
        nv_a = nv_a + jnp.where(valid, 1.0, 0.0)
        ps_a = ps_a + jnp.where(o_raw > 0.0, 1.0, 0.0)
        for v in range(4):
            dbase = k * (4 * _L) + v * _L
            od16 = buf_v[pl.ds(_OD0 + dbase, _L)]
            td16 = buf_v[pl.ds(_TD0 + dbase, _L)]
            d = jnp.abs(od16 - td16)
            sl1 = jnp.where(d < 1.0, 0.5 * d * d, d - 0.5)
            w = jnp.where(lane >= 12, o_raw[4 * v + 3],
                          jnp.where(lane >= 8, o_raw[4 * v + 2],
                                    jnp.where(lane >= 4, o_raw[4 * v + 1],
                                              o_raw[4 * v])))
            reg_a = reg_a + jnp.where(w > 0.0, sl1, 0.0)
        return bce_a, nv_a, ps_a, reg_a

    bce_a, nv_a, ps_a, reg_a = lax.fori_loop(
        0, _NA // _L, body, (zeros, zeros, zeros, zeros))

    buf_v[pl.ds(_PAC, _L)] = bce_a
    buf_v[pl.ds(_PAC + _L, _L)] = nv_a
    buf_v[pl.ds(_PAC + 2 * _L, _L)] = reg_a
    buf_v[pl.ds(_PAC + 3 * _L, _L)] = ps_a
    pltpu.sync_copy(
        buf_v.at[pl.ds(_PAC, 4 * _L)],
        part_hbm.at[pl.ds(sid * 4 * _L, 4 * _L)])


def _combine_body(p_ref, o_ref):
    p = p_ref[...]
    aid = lax.rem(lax.broadcasted_iota(jnp.int32, p.shape, 0), 4)
    bce = jnp.sum(jnp.where(aid == 0, p, 0.0))
    nv = jnp.sum(jnp.where(aid == 1, p, 0.0))
    reg = jnp.sum(jnp.where(aid == 2, p, 0.0))
    ps = jnp.sum(jnp.where(aid == 3, p, 0.0))
    cls_loss = bce / jnp.maximum(nv, 1.0)
    reg_loss = 10.0 * (reg / jnp.maximum(_EPS, ps))
    o_ref[0, 0] = cls_loss + reg_loss


_combine = pl.pallas_call(
    _combine_body,
    out_shape=jax.ShapeDtypeStruct((1, 1), jnp.float32),
    out_specs=pl.BlockSpec(memory_space=pltpu.SMEM),
)


def kernel(output_deltas, target_deltas, output_scores, target_scores):
    od = jnp.reshape(output_deltas, (-1,))
    td = jnp.reshape(target_deltas, (-1,))
    os_ = jnp.reshape(output_scores, (-1,))
    ts = jnp.reshape(target_scores, (-1,))
    part = _sc_partials(od, td, os_, ts)
    return jnp.reshape(_combine(jnp.reshape(part, (_NS * 4, _L))), ())

# --- scband reference (transcript-rebuilt; emitter-appended) ---
"""Pipeline reference for scband-rpn-24575802867992 (READ-ONLY COPY).

The authoritative reference and input builder live on the scoring server;
editing this copy changes nothing except your own understanding.
"""

import jax, jax.numpy as jnp
import numpy as np

N = 36864
_EPS = 1e-7


def setup_inputs(seed: int = 0) -> dict:
    key = jax.random.key(seed)
    k1, k2, k3, k4 = jax.random.split(key, 4)
    output_deltas = jax.random.normal(k1, (1, N, 4), dtype=jnp.float32)
    target_deltas = jax.random.normal(k2, (1, N, 4), dtype=jnp.float32)
    output_scores = jax.random.uniform(k3, (1, N), dtype=jnp.float32)
    # RPN targets: -1 = ignore, 0 = negative, 1 = positive anchor
    target_scores = (jax.random.randint(k4, (1, N), 0, 3) - 1).astype(jnp.float32)
    return {
        "output_deltas": output_deltas,
        "target_deltas": target_deltas,
        "output_scores": output_scores,
        "target_scores": target_scores,
    }


def _rpn_loss(output_deltas, target_deltas, output_scores, target_scores):
    # call() reshapes predictions to (1, -1, 4) and (1, -1)
    od = jnp.reshape(output_deltas, (1, -1, 4))
    os_ = jnp.reshape(output_scores, (1, -1))

    # ---- classification loss: BCE over anchors where target != -1 ----
    cls_mask = (target_scores != -1.0)
    out = jnp.clip(os_, _EPS, 1.0 - _EPS)
    bce = -(target_scores * jnp.log(out) + (1.0 - target_scores) * jnp.log(1.0 - out))
    n_valid = jnp.maximum(jnp.sum(cls_mask.astype(jnp.float32)), 1.0)
    classification_loss = jnp.sum(jnp.where(cls_mask, bce, 0.0)) / n_valid

    # ---- regression loss: smooth L1 over anchors (masked by output_scores != -1,
    #      faithful to the original code), weighted by p* = (score > 0) ----
    reg_mask = (os_ != -1.0)
    diff = jnp.abs(od - target_deltas)
    sl1 = jnp.where(diff < 1.0, 0.5 * diff * diff, diff - 0.5)
    a_y = jnp.sum(sl1, axis=-1)  # anchored=True: sum over the 4 delta coords -> [1, N]
    p_star_i = jnp.where(jnp.logical_and(reg_mask, os_ > 0.0), 1.0, 0.0)
    a = p_star_i * jnp.where(reg_mask, a_y, 0.0)
    weight = 10.0
    regression_loss = weight * (jnp.sum(a) / jnp.maximum(_EPS, jnp.sum(p_star_i)))

    return classification_loss + regression_loss


def reference(output_deltas, target_deltas, output_scores, target_scores):
    # Original layer passes through [output_deltas, output_scores] and calls
    # add_loss(cls + reg); the meaningful computation is the scalar loss.
    return _rpn_loss(output_deltas, target_deltas, output_scores, target_scores)

if __name__ == "__main__":
    import jax
    _d = setup_inputs()
    print(jax.jit(kernel)(*tuple(_d.values())))

</pallas_src>

<mosaic_0001>
#map = affine_map<(d0, d1) -> (0)>
module attributes {stable_mosaic.version = 14 : i64} {
  func.func @_sc_partials(%arg0: i32, %arg1: i32, %arg2: memref<147456xf32, #tpu.memory_space<hbm>>, %arg3: memref<147456xf32, #tpu.memory_space<hbm>>, %arg4: memref<36864xf32, #tpu.memory_space<hbm>>, %arg5: memref<36864xf32, #tpu.memory_space<hbm>>, %arg6: memref<1024xf32, #tpu.memory_space<hbm>>, %arg7: memref<23104xf32, #tpu.memory_space<vmem>>, %arg8: memref<!tpu.dma_semaphore, #tpu.memory_space<semaphore_mem>>) attributes {dimension_semantics = [#tpu.dimension_semantics<core_parallel>, #tpu.dimension_semantics<subcore_parallel>], iteration_bounds = array<i64: 1, 16>, scalar_prefetch = 0 : i64, scratch_operands = 2 : i64, tpu.core_type = #tpu.core_type<sc_vector_subcore>, window_params = [{transform_indices = #map}, {transform_indices = #map}, {transform_indices = #map}, {transform_indices = #map}, {transform_indices = #map}]} {
    %mul3A = arith.constant 9216 : i32
    %mul3A_0 = arith.muli %arg1, %mul3A : i32
    %dma_start3A = arith.constant 0 : i32
    %dma_start3A_1 = tpu.memref_slice %arg7[%dma_start3A] : memref<23104xf32, #tpu.memory_space<vmem>> -> memref<9216xf32, #tpu.memory_space<vmem>>
    %dma_start3A_2 = tpu.memref_slice %arg2[%mul3A_0] : memref<147456xf32, #tpu.memory_space<hbm>> -> memref<9216xf32, #tpu.memory_space<hbm>>
    %dma_start3A_3 = arith.constant 0 : i32
    %dma_start3A_4 = tpu.memref_slice %arg7[%dma_start3A_3] : memref<23104xf32, #tpu.memory_space<vmem>> -> memref<9216xf32, #tpu.memory_space<vmem>>
    %dma_start3A_5 = tpu.memref_slice %arg2[%mul3A_0] : memref<147456xf32, #tpu.memory_space<hbm>> -> memref<9216xf32, #tpu.memory_space<hbm>>
    tpu.enqueue_dma source(%dma_start3A_5 : memref<9216xf32, #tpu.memory_space<hbm>>) target(%dma_start3A_4 : memref<9216xf32, #tpu.memory_space<vmem>>) target_semaphore(%arg8 : memref<!tpu.dma_semaphore, #tpu.memory_space<semaphore_mem>>)
    %mul3A_6 = arith.constant 9216 : i32
    %mul3A_7 = arith.muli %arg1, %mul3A_6 : i32
    %dma_start3A_8 = arith.constant 9216 : i32
    %dma_start3A_9 = tpu.memref_slice %arg7[%dma_start3A_8] : memref<23104xf32, #tpu.memory_space<vmem>> -> memref<9216xf32, #tpu.memory_space<vmem>>
    %dma_start3A_10 = tpu.memref_slice %arg3[%mul3A_7] : memref<147456xf32, #tpu.memory_space<hbm>> -> memref<9216xf32, #tpu.memory_space<hbm>>
    %dma_start3A_11 = arith.constant 9216 : i32
    %dma_start3A_12 = tpu.memref_slice %arg7[%dma_start3A_11] : memref<23104xf32, #tpu.memory_space<vmem>> -> memref<9216xf32, #tpu.memory_space<vmem>>
    %dma_start3A_13 = tpu.memref_slice %arg3[%mul3A_7] : memref<147456xf32, #tpu.memory_space<hbm>> -> memref<9216xf32, #tpu.memory_space<hbm>>
    tpu.enqueue_dma source(%dma_start3A_13 : memref<9216xf32, #tpu.memory_space<hbm>>) target(%dma_start3A_12 : memref<9216xf32, #tpu.memory_space<vmem>>) target_semaphore(%arg8 : memref<!tpu.dma_semaphore, #tpu.memory_space<semaphore_mem>>)
    %mul3A_14 = arith.constant 2304 : i32
    %mul3A_15 = arith.muli %arg1, %mul3A_14 : i32
    %dma_start3A_16 = arith.constant 18432 : i32
    %dma_start3A_17 = tpu.memref_slice %arg7[%dma_start3A_16] : memref<23104xf32, #tpu.memory_space<vmem>> -> memref<2304xf32, #tpu.memory_space<vmem>>
    %dma_start3A_18 = tpu.memref_slice %arg4[%mul3A_15] : memref<36864xf32, #tpu.memory_space<hbm>> -> memref<2304xf32, #tpu.memory_space<hbm>>
    %dma_start3A_19 = arith.constant 18432 : i32
    %dma_start3A_20 = tpu.memref_slice %arg7[%dma_start3A_19] : memref<23104xf32, #tpu.memory_space<vmem>> -> memref<2304xf32, #tpu.memory_space<vmem>>
    %dma_start3A_21 = tpu.memref_slice %arg4[%mul3A_15] : memref<36864xf32, #tpu.memory_space<hbm>> -> memref<2304xf32, #tpu.memory_space<hbm>>
    tpu.enqueue_dma source(%dma_start3A_21 : memref<2304xf32, #tpu.memory_space<hbm>>) target(%dma_start3A_20 : memref<2304xf32, #tpu.memory_space<vmem>>) target_semaphore(%arg8 : memref<!tpu.dma_semaphore, #tpu.memory_space<semaphore_mem>>)
    %mul3A_22 = arith.constant 2304 : i32
    %mul3A_23 = arith.muli %arg1, %mul3A_22 : i32
    %dma_start3A_24 = arith.constant 20736 : i32
    %dma_start3A_25 = tpu.memref_slice %arg7[%dma_start3A_24] : memref<23104xf32, #tpu.memory_space<vmem>> -> memref<2304xf32, #tpu.memory_space<vmem>>
    %dma_start3A_26 = tpu.memref_slice %arg5[%mul3A_23] : memref<36864xf32, #tpu.memory_space<hbm>> -> memref<2304xf32, #tpu.memory_space<hbm>>
    %dma_start3A_27 = arith.constant 20736 : i32
    %dma_start3A_28 = tpu.memref_slice %arg7[%dma_start3A_27] : memref<23104xf32, #tpu.memory_space<vmem>> -> memref<2304xf32, #tpu.memory_space<vmem>>
    %dma_start3A_29 = tpu.memref_slice %arg5[%mul3A_23] : memref<36864xf32, #tpu.memory_space<hbm>> -> memref<2304xf32, #tpu.memory_space<hbm>>
    tpu.enqueue_dma source(%dma_start3A_29 : memref<2304xf32, #tpu.memory_space<hbm>>) target(%dma_start3A_28 : memref<2304xf32, #tpu.memory_space<vmem>>) target_semaphore(%arg8 : memref<!tpu.dma_semaphore, #tpu.memory_space<semaphore_mem>>)
    %dma_wait3A = arith.constant 0 : i32
    %dma_wait3A_30 = tpu.memref_slice %arg7[%dma_wait3A] : memref<23104xf32, #tpu.memory_space<vmem>> -> memref<9216xf32, #tpu.memory_space<vmem>>
    %dma_wait3A_31 = tpu.memref_slice %arg2[%mul3A_0] : memref<147456xf32, #tpu.memory_space<hbm>> -> memref<9216xf32, #tpu.memory_space<hbm>>
    %dma_wait3A_32 = arith.constant 0 : i32
    %dma_wait3A_33 = tpu.memref_slice %arg7[%dma_wait3A_32] : memref<23104xf32, #tpu.memory_space<vmem>> -> memref<9216xf32, #tpu.memory_space<vmem>>
    %dma_wait3A_34 = tpu.memref_slice %arg2[%mul3A_0] : memref<147456xf32, #tpu.memory_space<hbm>> -> memref<9216xf32, #tpu.memory_space<hbm>>
    tpu.wait_dma2 semaphore(%arg8 : memref<!tpu.dma_semaphore, #tpu.memory_space<semaphore_mem>>) src(%dma_wait3A_34 : memref<9216xf32, #tpu.memory_space<hbm>>) dst(%dma_wait3A_33 : memref<9216xf32, #tpu.memory_space<vmem>>)
    %dma_wait3A_35 = arith.constant 9216 : i32
    %dma_wait3A_36 = tpu.memref_slice %arg7[%dma_wait3A_35] : memref<23104xf32, #tpu.memory_space<vmem>> -> memref<9216xf32, #tpu.memory_space<vmem>>
    %dma_wait3A_37 = tpu.memref_slice %arg3[%mul3A_7] : memref<147456xf32, #tpu.memory_space<hbm>> -> memref<9216xf32, #tpu.memory_space<hbm>>
    %dma_wait3A_38 = arith.constant 9216 : i32
    %dma_wait3A_39 = tpu.memref_slice %arg7[%dma_wait3A_38] : memref<23104xf32, #tpu.memory_space<vmem>> -> memref<9216xf32, #tpu.memory_space<vmem>>
    %dma_wait3A_40 = tpu.memref_slice %arg3[%mul3A_7] : memref<147456xf32, #tpu.memory_space<hbm>> -> memref<9216xf32, #tpu.memory_space<hbm>>
    tpu.wait_dma2 semaphore(%arg8 : memref<!tpu.dma_semaphore, #tpu.memory_space<semaphore_mem>>) src(%dma_wait3A_40 : memref<9216xf32, #tpu.memory_space<hbm>>) dst(%dma_wait3A_39 : memref<9216xf32, #tpu.memory_space<vmem>>)
    %dma_wait3A_41 = arith.constant 18432 : i32
    %dma_wait3A_42 = tpu.memref_slice %arg7[%dma_wait3A_41] : memref<23104xf32, #tpu.memory_space<vmem>> -> memref<2304xf32, #tpu.memory_space<vmem>>
    %dma_wait3A_43 = tpu.memref_slice %arg4[%mul3A_15] : memref<36864xf32, #tpu.memory_space<hbm>> -> memref<2304xf32, #tpu.memory_space<hbm>>
    %dma_wait3A_44 = arith.constant 18432 : i32
    %dma_wait3A_45 = tpu.memref_slice %arg7[%dma_wait3A_44] : memref<23104xf32, #tpu.memory_space<vmem>> -> memref<2304xf32, #tpu.memory_space<vmem>>
    %dma_wait3A_46 = tpu.memref_slice %arg4[%mul3A_15] : memref<36864xf32, #tpu.memory_space<hbm>> -> memref<2304xf32, #tpu.memory_space<hbm>>
    tpu.wait_dma2 semaphore(%arg8 : memref<!tpu.dma_semaphore, #tpu.memory_space<semaphore_mem>>) src(%dma_wait3A_46 : memref<2304xf32, #tpu.memory_space<hbm>>) dst(%dma_wait3A_45 : memref<2304xf32, #tpu.memory_space<vmem>>)
    %dma_wait3A_47 = arith.constant 20736 : i32
    %dma_wait3A_48 = tpu.memref_slice %arg7[%dma_wait3A_47] : memref<23104xf32, #tpu.memory_space<vmem>> -> memref<2304xf32, #tpu.memory_space<vmem>>
    %dma_wait3A_49 = tpu.memref_slice %arg5[%mul3A_23] : memref<36864xf32, #tpu.memory_space<hbm>> -> memref<2304xf32, #tpu.memory_space<hbm>>
    %dma_wait3A_50 = arith.constant 20736 : i32
    %dma_wait3A_51 = tpu.memref_slice %arg7[%dma_wait3A_50] : memref<23104xf32, #tpu.memory_space<vmem>> -> memref<2304xf32, #tpu.memory_space<vmem>>
    %dma_wait3A_52 = tpu.memref_slice %arg5[%mul3A_23] : memref<36864xf32, #tpu.memory_space<hbm>> -> memref<2304xf32, #tpu.memory_space<hbm>>
    tpu.wait_dma2 semaphore(%arg8 : memref<!tpu.dma_semaphore, #tpu.memory_space<semaphore_mem>>) src(%dma_wait3A_52 : memref<2304xf32, #tpu.memory_space<hbm>>) dst(%dma_wait3A_51 : memref<2304xf32, #tpu.memory_space<vmem>>)
    %broadcast_in_dim3A = arith.constant 0.000000e+00 : f32
    %broadcast_in_dim3A_53 = vector.broadcast %broadcast_in_dim3A : f32 to vector<16xf32>
    %iota3A = tpu.iota {dimensions = array<i32: 0>} : vector<16xi32>
    %scan3A = arith.constant 0 : i32
    %scan3A_54 = arith.constant 144 : i32
    %scan3A_55 = arith.addi %scan3A, %scan3A_54 : i32
    %scan3A_56 = arith.constant 1 : i32
    %scan3A_57:4 = scf.for %scan3A_78 = %scan3A to %scan3A_55 step %scan3A_56 iter_args(%scan3A_79 = %broadcast_in_dim3A_53, %scan3A_80 = %broadcast_in_dim3A_53, %scan3A_81 = %broadcast_in_dim3A_53, %scan3A_82 = %broadcast_in_dim3A_53) -> (vector<16xf32>, vector<16xf32>, vector<16xf32>, vector<16xf32>)  : i32 {
      %mul3A_83 = arith.constant 16 : i32
      %mul3A_84 = arith.muli %scan3A_78, %mul3A_83 : i32
      %add3A = arith.constant 18432 : i32
      %add3A_85 = arith.addi %add3A, %mul3A_84 : i32
      %get3A = arith.index_cast %add3A_85 : i32 to index
      %get3A_86 = tpu.vector_load %arg7[%get3A] {strides = array<i32>} : memref<23104xf32, #tpu.memory_space<vmem>>, vector<16xf32>,
      %get3A_87 = vector.shape_cast %get3A_86 : vector<16xf32> to vector<16xf32>
      %mul3A_88 = arith.constant 16 : i32
      %mul3A_89 = arith.muli %scan3A_78, %mul3A_88 : i32
      %add3A_90 = arith.constant 20736 : i32
      %add3A_91 = arith.addi %add3A_90, %mul3A_89 : i32
      %get3A_92 = arith.index_cast %add3A_91 : i32 to index
      %get3A_93 = tpu.vector_load %arg7[%get3A_92] {strides = array<i32>} : memref<23104xf32, #tpu.memory_space<vmem>>, vector<16xf32>,
      %get3A_94 = vector.shape_cast %get3A_93 : vector<16xf32> to vector<16xf32>
      %jit3A = arith.constant 1.000000e-07 : f32
      %jit3A_95 = arith.constant 0.99999988 : f32
      %max3A = vector.broadcast %jit3A : f32 to vector<16xf32>
      %max3A_96 = arith.maximumf %max3A, %get3A_87 : vector<16xf32>
      %min3A = vector.broadcast %jit3A_95 : f32 to vector<16xf32>
      %min3A_97 = arith.minimumf %min3A, %max3A_96 : vector<16xf32>
      %bitcast_convert_type3A = tpu.bitcast %min3A_97 : vector<16xf32> -> vector<16xi32>
      %shift_right_logical3A = arith.constant 23 : i32
      %shift_right_logical3A_98 = vector.broadcast %shift_right_logical3A : i32 to vector<16xi32>
      %shift_right_logical3A_99 = arith.shrui %bitcast_convert_type3A, %shift_right_logical3A_98 : vector<16xi32>
      %sub3A = arith.constant 127 : i32
      %sub3A_100 = vector.broadcast %sub3A : i32 to vector<16xi32>
      %sub3A_101 = arith.subi %shift_right_logical3A_99, %sub3A_100 : vector<16xi32>
      %and3A = arith.constant 8388607 : i32
      %and3A_102 = vector.broadcast %and3A : i32 to vector<16xi32>
      %and3A_103 = arith.andi %bitcast_convert_type3A, %and3A_102 : vector<16xi32>
      %or3A = arith.constant 1065353216 : i32
      %or3A_104 = vector.broadcast %or3A : i32 to vector<16xi32>
      %or3A_105 = arith.ori %and3A_103, %or3A_104 : vector<16xi32>
      %bitcast_convert_type3A_106 = tpu.bitcast %or3A_105 : vector<16xi32> -> vector<16xf32>
      %gt3A = arith.constant 1.41421354 : f32
      %gt3A_107 = vector.broadcast %gt3A : f32 to vector<16xf32>
      %gt3A_108 = arith.cmpf ogt, %bitcast_convert_type3A_106, %gt3A_107 : vector<16xf32>
      %mul3A_109 = arith.constant 5.000000e-01 : f32
      %mul3A_110 = vector.broadcast %mul3A_109 : f32 to vector<16xf32>
      %mul3A_111 = arith.mulf %bitcast_convert_type3A_106, %mul3A_110 : vector<16xf32>
      %select_n3A = arith.select %gt3A_108, %mul3A_111, %bitcast_convert_type3A_106 : vector<16xi1>, vector<16xf32>
      %jit3A_112 = arith.constant 1 : i32
      %jit3A_113 = arith.constant 0 : i32
      %broadcast_in_dim3A_114 = vector.broadcast %jit3A_112 : i32 to vector<16xi32>
      %broadcast_in_dim3A_115 = vector.broadcast %jit3A_113 : i32 to vector<16xi32>
      %select_n3A_116 = arith.select %gt3A_108, %broadcast_in_dim3A_114, %broadcast_in_dim3A_115 : vector<16xi1>, vector<16xi32>
      %add3A_117 = arith.addi %sub3A_101, %select_n3A_116 : vector<16xi32>
      %sub3A_118 = arith.constant 1.000000e+00 : f32
      %sub3A_119 = vector.broadcast %sub3A_118 : f32 to vector<16xf32>
      %sub3A_120 = arith.subf %select_n3A, %sub3A_119 : vector<16xf32>
      %add3A_121 = arith.constant 1.000000e+00 : f32
      %add3A_122 = vector.broadcast %add3A_121 : f32 to vector<16xf32>
      %add3A_123 = arith.addf %select_n3A, %add3A_122 : vector<16xf32>
      %div3A = arith.divf %sub3A_120, %add3A_123 : vector<16xf32>
      %mul3A_124 = arith.mulf %div3A, %div3A : vector<16xf32>
      %mul3A_125 = arith.constant 0.111111112 : f32
      %mul3A_126 = vector.broadcast %mul3A_125 : f32 to vector<16xf32>
      %mul3A_127 = arith.mulf %mul3A_124, %mul3A_126 : vector<16xf32>
      %add3A_128 = arith.constant 0.142857149 : f32
      %add3A_129 = vector.broadcast %add3A_128 : f32 to vector<16xf32>
      %add3A_130 = arith.addf %add3A_129, %mul3A_127 : vector<16xf32>
      %mul3A_131 = arith.mulf %mul3A_124, %add3A_130 : vector<16xf32>
      %add3A_132 = arith.constant 2.000000e-01 : f32
      %add3A_133 = vector.broadcast %add3A_132 : f32 to vector<16xf32>
      %add3A_134 = arith.addf %add3A_133, %mul3A_131 : vector<16xf32>
      %mul3A_135 = arith.mulf %mul3A_124, %add3A_134 : vector<16xf32>
      %add3A_136 = arith.constant 0.333333343 : f32
      %add3A_137 = vector.broadcast %add3A_136 : f32 to vector<16xf32>
      %add3A_138 = arith.addf %add3A_137, %mul3A_135 : vector<16xf32>
      %mul3A_139 = arith.mulf %mul3A_124, %add3A_138 : vector<16xf32>
      %add3A_140 = arith.constant 1.000000e+00 : f32
      %add3A_141 = vector.broadcast %add3A_140 : f32 to vector<16xf32>
      %add3A_142 = arith.addf %add3A_141, %mul3A_139 : vector<16xf32>
      %convert_element_type3A = arith.sitofp %add3A_117 : vector<16xi32> to vector<16xf32>
      %mul3A_143 = arith.constant 0.693147182 : f32
      %mul3A_144 = vector.broadcast %mul3A_143 : f32 to vector<16xf32>
      %mul3A_145 = arith.mulf %convert_element_type3A, %mul3A_144 : vector<16xf32>
      %mul3A_146 = arith.constant 2.000000e+00 : f32
      %mul3A_147 = vector.broadcast %mul3A_146 : f32 to vector<16xf32>
      %mul3A_148 = arith.mulf %mul3A_147, %div3A : vector<16xf32>
      %mul3A_149 = arith.mulf %mul3A_148, %add3A_142 : vector<16xf32>
      %add3A_150 = arith.addf %mul3A_145, %mul3A_149 : vector<16xf32>
      %mul3A_151 = arith.mulf %get3A_94, %add3A_150 : vector<16xf32>
      %sub3A_152 = arith.constant 1.000000e+00 : f32
      %sub3A_153 = vector.broadcast %sub3A_152 : f32 to vector<16xf32>
      %sub3A_154 = arith.subf %sub3A_153, %get3A_94 : vector<16xf32>
      %sub3A_155 = arith.constant 1.000000e+00 : f32
      %sub3A_156 = vector.broadcast %sub3A_155 : f32 to vector<16xf32>
      %sub3A_157 = arith.subf %sub3A_156, %min3A_97 : vector<16xf32>
      %bitcast_convert_type3A_158 = tpu.bitcast %sub3A_157 : vector<16xf32> -> vector<16xi32>
      %shift_right_logical3A_159 = arith.constant 23 : i32
      %shift_right_logical3A_160 = vector.broadcast %shift_right_logical3A_159 : i32 to vector<16xi32>
      %shift_right_logical3A_161 = arith.shrui %bitcast_convert_type3A_158, %shift_right_logical3A_160 : vector<16xi32>
      %sub3A_162 = arith.constant 127 : i32
      %sub3A_163 = vector.broadcast %sub3A_162 : i32 to vector<16xi32>
      %sub3A_164 = arith.subi %shift_right_logical3A_161, %sub3A_163 : vector<16xi32>
      %and3A_165 = arith.constant 8388607 : i32
      %and3A_166 = vector.broadcast %and3A_165 : i32 to vector<16xi32>
      %and3A_167 = arith.andi %bitcast_convert_type3A_158, %and3A_166 : vector<16xi32>
      %or3A_168 = arith.constant 1065353216 : i32
      %or3A_169 = vector.broadcast %or3A_168 : i32 to vector<16xi32>
      %or3A_170 = arith.ori %and3A_167, %or3A_169 : vector<16xi32>
      %bitcast_convert_type3A_171 = tpu.bitcast %or3A_170 : vector<16xi32> -> vector<16xf32>
      %gt3A_172 = arith.constant 1.41421354 : f32
      %gt3A_173 = vector.broadcast %gt3A_172 : f32 to vector<16xf32>
      %gt3A_174 = arith.cmpf ogt, %bitcast_convert_type3A_171, %gt3A_173 : vector<16xf32>
      %mul3A_175 = arith.constant 5.000000e-01 : f32
      %mul3A_176 = vector.broadcast %mul3A_175 : f32 to vector<16xf32>
      %mul3A_177 = arith.mulf %bitcast_convert_type3A_171, %mul3A_176 : vector<16xf32>
      %select_n3A_178 = arith.select %gt3A_174, %mul3A_177, %bitcast_convert_type3A_171 : vector<16xi1>, vector<16xf32>
      %jit3A_179 = arith.constant 1 : i32
      %jit3A_180 = arith.constant 0 : i32
      %broadcast_in_dim3A_181 = vector.broadcast %jit3A_179 : i32 to vector<16xi32>
      %broadcast_in_dim3A_182 = vector.broadcast %jit3A_180 : i32 to vector<16xi32>
      %select_n3A_183 = arith.select %gt3A_174, %broadcast_in_dim3A_181, %broadcast_in_dim3A_182 : vector<16xi1>, vector<16xi32>
      %add3A_184 = arith.addi %sub3A_164, %select_n3A_183 : vector<16xi32>
      %sub3A_185 = arith.constant 1.000000e+00 : f32
      %sub3A_186 = vector.broadcast %sub3A_185 : f32 to vector<16xf32>
      %sub3A_187 = arith.subf %select_n3A_178, %sub3A_186 : vector<16xf32>
      %add3A_188 = arith.constant 1.000000e+00 : f32
      %add3A_189 = vector.broadcast %add3A_188 : f32 to vector<16xf32>
      %add3A_190 = arith.addf %select_n3A_178, %add3A_189 : vector<16xf32>
      %div3A_191 = arith.divf %sub3A_187, %add3A_190 : vector<16xf32>
      %mul3A_192 = arith.mulf %div3A_191, %div3A_191 : vector<16xf32>
      %mul3A_193 = arith.constant 0.111111112 : f32
      %mul3A_194 = vector.broadcast %mul3A_193 : f32 to vector<16xf32>
      %mul3A_195 = arith.mulf %mul3A_192, %mul3A_194 : vector<16xf32>
      %add3A_196 = arith.constant 0.142857149 : f32
      %add3A_197 = vector.broadcast %add3A_196 : f32 to vector<16xf32>
      %add3A_198 = arith.addf %add3A_197, %mul3A_195 : vector<16xf32>
      %mul3A_199 = arith.mulf %mul3A_192, %add3A_198 : vector<16xf32>
      %add3A_200 = arith.constant 2.000000e-01 : f32
      %add3A_201 = vector.broadcast %add3A_200 : f32 to vector<16xf32>
      %add3A_202 = arith.addf %add3A_201, %mul3A_199 : vector<16xf32>
      %mul3A_203 = arith.mulf %mul3A_192, %add3A_202 : vector<16xf32>
      %add3A_204 = arith.constant 0.333333343 : f32
      %add3A_205 = vector.broadcast %add3A_204 : f32 to vector<16xf32>
      %add3A_206 = arith.addf %add3A_205, %mul3A_203 : vector<16xf32>
      %mul3A_207 = arith.mulf %mul3A_192, %add3A_206 : vector<16xf32>
      %add3A_208 = arith.constant 1.000000e+00 : f32
      %add3A_209 = vector.broadcast %add3A_208 : f32 to vector<16xf32>
      %add3A_210 = arith.addf %add3A_209, %mul3A_207 : vector<16xf32>
      %convert_element_type3A_211 = arith.sitofp %add3A_184 : vector<16xi32> to vector<16xf32>
      %mul3A_212 = arith.constant 0.693147182 : f32
      %mul3A_213 = vector.broadcast %mul3A_212 : f32 to vector<16xf32>
      %mul3A_214 = arith.mulf %convert_element_type3A_211, %mul3A_213 : vector<16xf32>
      %mul3A_215 = arith.constant 2.000000e+00 : f32
      %mul3A_216 = vector.broadcast %mul3A_215 : f32 to vector<16xf32>
      %mul3A_217 = arith.mulf %mul3A_216, %div3A_191 : vector<16xf32>
      %mul3A_218 = arith.mulf %mul3A_217, %add3A_210 : vector<16xf32>
      %add3A_219 = arith.addf %mul3A_214, %mul3A_218 : vector<16xf32>
      %mul3A_220 = arith.mulf %sub3A_154, %add3A_219 : vector<16xf32>
      %add3A_221 = arith.addf %mul3A_151, %mul3A_220 : vector<16xf32>
      %neg3A = arith.constant 0.000000e+00 : f32
      %neg3A_222 = vector.broadcast %neg3A : f32 to vector<16xf32>
      %neg3A_223 = arith.subf %neg3A_222, %add3A_221 : vector<16xf32>
      %ne3A = arith.constant -1.000000e+00 : f32
      %ne3A_224 = vector.broadcast %ne3A : f32 to vector<16xf32>
      %ne3A_225 = arith.cmpf one, %get3A_94, %ne3A_224 : vector<16xf32>
      %jit3A_226 = arith.constant 0.000000e+00 : f32
      %broadcast_in_dim3A_227 = vector.broadcast %jit3A_226 : f32 to vector<16xf32>
      %select_n3A_228 = arith.select %ne3A_225, %neg3A_223, %broadcast_in_dim3A_227 : vector<16xi1>, vector<16xf32>
      %add3A_229 = arith.addf %scan3A_79, %select_n3A_228 : vector<16xf32>
      %jit3A_230 = arith.constant 1.000000e+00 : f32
      %jit3A_231 = arith.constant 0.000000e+00 : f32
      %broadcast_in_dim3A_232 = vector.broadcast %jit3A_230 : f32 to vector<16xf32>
      %broadcast_in_dim3A_233 = vector.broadcast %jit3A_231 : f32 to vector<16xf32>
      %select_n3A_234 = arith.select %ne3A_225, %broadcast_in_dim3A_232, %broadcast_in_dim3A_233 : vector<16xi1>, vector<16xf32>
      %add3A_235 = arith.addf %scan3A_80, %select_n3A_234 : vector<16xf32>
      %gt3A_236 = arith.constant 0.000000e+00 : f32
      %gt3A_237 = vector.broadcast %gt3A_236 : f32 to vector<16xf32>
      %gt3A_238 = arith.cmpf ogt, %get3A_87, %gt3A_237 : vector<16xf32>
      %jit3A_239 = arith.constant 1.000000e+00 : f32
      %jit3A_240 = arith.constant 0.000000e+00 : f32
      %broadcast_in_dim3A_241 = vector.broadcast %jit3A_239 : f32 to vector<16xf32>
      %broadcast_in_dim3A_242 = vector.broadcast %jit3A_240 : f32 to vector<16xf32>
      %select_n3A_243 = arith.select %gt3A_238, %broadcast_in_dim3A_241, %broadcast_in_dim3A_242 : vector<16xi1>, vector<16xf32>
      %add3A_244 = arith.addf %scan3A_81, %select_n3A_243 : vector<16xf32>
      %mul3A_245 = arith.constant 64 : i32
      %mul3A_246 = arith.muli %scan3A_78, %mul3A_245 : i32
      %add3A_247 = arith.constant 0 : i32
      %add3A_248 = arith.addi %mul3A_246, %add3A_247 : i32
      %add3A_249 = arith.constant 0 : i32
      %add3A_250 = arith.addi %add3A_249, %add3A_248 : i32
      %get3A_251 = arith.index_cast %add3A_250 : i32 to index
      %get3A_252 = tpu.vector_load %arg7[%get3A_251] {strides = array<i32>} : memref<23104xf32, #tpu.memory_space<vmem>>, vector<16xf32>,
      %get3A_253 = vector.shape_cast %get3A_252 : vector<16xf32> to vector<16xf32>
      %add3A_254 = arith.constant 9216 : i32
      %add3A_255 = arith.addi %add3A_254, %add3A_248 : i32
      %get3A_256 = arith.index_cast %add3A_255 : i32 to index
      %get3A_257 = tpu.vector_load %arg7[%get3A_256] {strides = array<i32>} : memref<23104xf32, #tpu.memory_space<vmem>>, vector<16xf32>,
      %get3A_258 = vector.shape_cast %get3A_257 : vector<16xf32> to vector<16xf32>
      %sub3A_259 = arith.subf %get3A_253, %get3A_258 : vector<16xf32>
      %abs3A = math.absf %sub3A_259 : vector<16xf32>
      %lt3A = arith.constant 1.000000e+00 : f32
      %lt3A_260 = vector.broadcast %lt3A : f32 to vector<16xf32>
      %lt3A_261 = arith.cmpf olt, %abs3A, %lt3A_260 : vector<16xf32>
      %mul3A_262 = arith.constant 5.000000e-01 : f32
      %mul3A_263 = vector.broadcast %mul3A_262 : f32 to vector<16xf32>
      %mul3A_264 = arith.mulf %mul3A_263, %abs3A : vector<16xf32>
      %mul3A_265 = arith.mulf %mul3A_264, %abs3A : vector<16xf32>
      %sub3A_266 = arith.constant 5.000000e-01 : f32
      %sub3A_267 = vector.broadcast %sub3A_266 : f32 to vector<16xf32>
      %sub3A_268 = arith.subf %abs3A, %sub3A_267 : vector<16xf32>
      %select_n3A_269 = arith.select %lt3A_261, %mul3A_265, %sub3A_268 : vector<16xi1>, vector<16xf32>
      %ge3A = arith.constant 12 : i32
      %ge3A_270 = vector.broadcast %ge3A : i32 to vector<16xi32>
      %ge3A_271 = arith.cmpi sge, %iota3A, %ge3A_270 : vector<16xi32>
      %slice3A = vector.extract_strided_slice %get3A_87 {offsets = [3], sizes = [1], strides = [1]} : vector<16xf32> to vector<1xf32>
      %squeeze3A = vector.extract %slice3A[0] : f32 from vector<1xf32>
      %ge3A_272 = arith.constant 8 : i32
      %ge3A_273 = vector.broadcast %ge3A_272 : i32 to vector<16xi32>
      %ge3A_274 = arith.cmpi sge, %iota3A, %ge3A_273 : vector<16xi32>
      %slice3A_275 = vector.extract_strided_slice %get3A_87 {offsets = [2], sizes = [1], strides = [1]} : vector<16xf32> to vector<1xf32>
      %squeeze3A_276 = vector.extract %slice3A_275[0] : f32 from vector<1xf32>
      %ge3A_277 = arith.constant 4 : i32
      %ge3A_278 = vector.broadcast %ge3A_277 : i32 to vector<16xi32>
      %ge3A_279 = arith.cmpi sge, %iota3A, %ge3A_278 : vector<16xi32>
      %slice3A_280 = vector.extract_strided_slice %get3A_87 {offsets = [1], sizes = [1], strides = [1]} : vector<16xf32> to vector<1xf32>
      %squeeze3A_281 = vector.extract %slice3A_280[0] : f32 from vector<1xf32>
      %slice3A_282 = vector.extract_strided_slice %get3A_87 {offsets = [0], sizes = [1], strides = [1]} : vector<16xf32> to vector<1xf32>
      %squeeze3A_283 = vector.extract %slice3A_282[0] : f32 from vector<1xf32>
      %broadcast_in_dim3A_284 = vector.broadcast %squeeze3A_281 : f32 to vector<16xf32>
      %broadcast_in_dim3A_285 = vector.broadcast %squeeze3A_283 : f32 to vector<16xf32>
      %select_n3A_286 = arith.select %ge3A_279, %broadcast_in_dim3A_284, %broadcast_in_dim3A_285 : vector<16xi1>, vector<16xf32>
      %broadcast_in_dim3A_287 = vector.broadcast %squeeze3A_276 : f32 to vector<16xf32>
      %select_n3A_288 = arith.select %ge3A_274, %broadcast_in_dim3A_287, %select_n3A_286 : vector<16xi1>, vector<16xf32>
      %broadcast_in_dim3A_289 = vector.broadcast %squeeze3A : f32 to vector<16xf32>
      %select_n3A_290 = arith.select %ge3A_271, %broadcast_in_dim3A_289, %select_n3A_288 : vector<16xi1>, vector<16xf32>
      %gt3A_291 = arith.constant 0.000000e+00 : f32
      %gt3A_292 = vector.broadcast %gt3A_291 : f32 to vector<16xf32>
      %gt3A_293 = arith.cmpf ogt, %select_n3A_290, %gt3A_292 : vector<16xf32>
      %jit3A_294 = arith.constant 0.000000e+00 : f32
      %broadcast_in_dim3A_295 = vector.broadcast %jit3A_294 : f32 to vector<16xf32>
      %select_n3A_296 = arith.select %gt3A_293, %select_n3A_269, %broadcast_in_dim3A_295 : vector<16xi1>, vector<16xf32>
      %add3A_297 = arith.addf %scan3A_82, %select_n3A_296 : vector<16xf32>
      %mul3A_298 = arith.constant 64 : i32
      %mul3A_299 = arith.muli %scan3A_78, %mul3A_298 : i32
      %add3A_300 = arith.constant 16 : i32
      %add3A_301 = arith.addi %mul3A_299, %add3A_300 : i32
      %add3A_302 = arith.constant 0 : i32
      %add3A_303 = arith.addi %add3A_302, %add3A_301 : i32
      %get3A_304 = arith.index_cast %add3A_303 : i32 to index
      %get3A_305 = tpu.vector_load %arg7[%get3A_304] {strides = array<i32>} : memref<23104xf32, #tpu.memory_space<vmem>>, vector<16xf32>,
      %get3A_306 = vector.shape_cast %get3A_305 : vector<16xf32> to vector<16xf32>
      %add3A_307 = arith.constant 9216 : i32
      %add3A_308 = arith.addi %add3A_307, %add3A_301 : i32
      %get3A_309 = arith.index_cast %add3A_308 : i32 to index
      %get3A_310 = tpu.vector_load %arg7[%get3A_309] {strides = array<i32>} : memref<23104xf32, #tpu.memory_space<vmem>>, vector<16xf32>,
      %get3A_311 = vector.shape_cast %get3A_310 : vector<16xf32> to vector<16xf32>
      %sub3A_312 = arith.subf %get3A_306, %get3A_311 : vector<16xf32>
      %abs3A_313 = math.absf %sub3A_312 : vector<16xf32>
      %lt3A_314 = arith.constant 1.000000e+00 : f32
      %lt3A_315 = vector.broadcast %lt3A_314 : f32 to vector<16xf32>
      %lt3A_316 = arith.cmpf olt, %abs3A_313, %lt3A_315 : vector<16xf32>
      %mul3A_317 = arith.constant 5.000000e-01 : f32
      %mul3A_318 = vector.broadcast %mul3A_317 : f32 to vector<16xf32>
      %mul3A_319 = arith.mulf %mul3A_318, %abs3A_313 : vector<16xf32>
      %mul3A_320 = arith.mulf %mul3A_319, %abs3A_313 : vector<16xf32>
      %sub3A_321 = arith.constant 5.000000e-01 : f32
      %sub3A_322 = vector.broadcast %sub3A_321 : f32 to vector<16xf32>
      %sub3A_323 = arith.subf %abs3A_313, %sub3A_322 : vector<16xf32>
      %select_n3A_324 = arith.select %lt3A_316, %mul3A_320, %sub3A_323 : vector<16xi1>, vector<16xf32>
      %ge3A_325 = arith.constant 12 : i32
      %ge3A_326 = vector.broadcast %ge3A_325 : i32 to vector<16xi32>
      %ge3A_327 = arith.cmpi sge, %iota3A, %ge3A_326 : vector<16xi32>
      %slice3A_328 = vector.extract_strided_slice %get3A_87 {offsets = [7], sizes = [1], strides = [1]} : vector<16xf32> to vector<1xf32>
      %squeeze3A_329 = vector.extract %slice3A_328[0] : f32 from vector<1xf32>
      %ge3A_330 = arith.constant 8 : i32
      %ge3A_331 = vector.broadcast %ge3A_330 : i32 to vector<16xi32>
      %ge3A_332 = arith.cmpi sge, %iota3A, %ge3A_331 : vector<16xi32>
      %slice3A_333 = vector.extract_strided_slice %get3A_87 {offsets = [6], sizes = [1], strides = [1]} : vector<16xf32> to vector<1xf32>
      %squeeze3A_334 = vector.extract %slice3A_333[0] : f32 from vector<1xf32>
      %ge3A_335 = arith.constant 4 : i32
      %ge3A_336 = vector.broadcast %ge3A_335 : i32 to vector<16xi32>
      %ge3A_337 = arith.cmpi sge, %iota3A, %ge3A_336 : vector<16xi32>
      %slice3A_338 = vector.extract_strided_slice %get3A_87 {offsets = [5], sizes = [1], strides = [1]} : vector<16xf32> to vector<1xf32>
      %squeeze3A_339 = vector.extract %slice3A_338[0] : f32 from vector<1xf32>
      %slice3A_340 = vector.extract_strided_slice %get3A_87 {offsets = [4], sizes = [1], strides = [1]} : vector<16xf32> to vector<1xf32>
      %squeeze3A_341 = vector.extract %slice3A_340[0] : f32 from vector<1xf32>
      %broadcast_in_dim3A_342 = vector.broadcast %squeeze3A_339 : f32 to vector<16xf32>
      %broadcast_in_dim3A_343 = vector.broadcast %squeeze3A_341 : f32 to vector<16xf32>
      %select_n3A_344 = arith.select %ge3A_337, %broadcast_in_dim3A_342, %broadcast_in_dim3A_343 : vector<16xi1>, vector<16xf32>
      %broadcast_in_dim3A_345 = vector.broadcast %squeeze3A_334 : f32 to vector<16xf32>
      %select_n3A_346 = arith.select %ge3A_332, %broadcast_in_dim3A_345, %select_n3A_344 : vector<16xi1>, vector<16xf32>
      %broadcast_in_dim3A_347 = vector.broadcast %squeeze3A_329 : f32 to vector<16xf32>
      %select_n3A_348 = arith.select %ge3A_327, %broadcast_in_dim3A_347, %select_n3A_346 : vector<16xi1>, vector<16xf32>
      %gt3A_349 = arith.constant 0.000000e+00 : f32
      %gt3A_350 = vector.broadcast %gt3A_349 : f32 to vector<16xf32>
      %gt3A_351 = arith.cmpf ogt, %select_n3A_348, %gt3A_350 : vector<16xf32>
      %jit3A_352 = arith.constant 0.000000e+00 : f32
      %broadcast_in_dim3A_353 = vector.broadcast %jit3A_352 : f32 to vector<16xf32>
      %select_n3A_354 = arith.select %gt3A_351, %select_n3A_324, %broadcast_in_dim3A_353 : vector<16xi1>, vector<16xf32>
      %add3A_355 = arith.addf %add3A_297, %select_n3A_354 : vector<16xf32>
      %mul3A_356 = arith.constant 64 : i32
      %mul3A_357 = arith.muli %scan3A_78, %mul3A_356 : i32
      %add3A_358 = arith.constant 32 : i32
      %add3A_359 = arith.addi %mul3A_357, %add3A_358 : i32
      %add3A_360 = arith.constant 0 : i32
      %add3A_361 = arith.addi %add3A_360, %add3A_359 : i32
      %get3A_362 = arith.index_cast %add3A_361 : i32 to index
      %get3A_363 = tpu.vector_load %arg7[%get3A_362] {strides = array<i32>} : memref<23104xf32, #tpu.memory_space<vmem>>, vector<16xf32>,
      %get3A_364 = vector.shape_cast %get3A_363 : vector<16xf32> to vector<16xf32>
      %add3A_365 = arith.constant 9216 : i32
      %add3A_366 = arith.addi %add3A_365, %add3A_359 : i32
      %get3A_367 = arith.index_cast %add3A_366 : i32 to index
      %get3A_368 = tpu.vector_load %arg7[%get3A_367] {strides = array<i32>} : memref<23104xf32, #tpu.memory_space<vmem>>, vector<16xf32>,
      %get3A_369 = vector.shape_cast %get3A_368 : vector<16xf32> to vector<16xf32>
      %sub3A_370 = arith.subf %get3A_364, %get3A_369 : vector<16xf32>
      %abs3A_371 = math.absf %sub3A_370 : vector<16xf32>
      %lt3A_372 = arith.constant 1.000000e+00 : f32
      %lt3A_373 = vector.broadcast %lt3A_372 : f32 to vector<16xf32>
      %lt3A_374 = arith.cmpf olt, %abs3A_371, %lt3A_373 : vector<16xf32>
      %mul3A_375 = arith.constant 5.000000e-01 : f32
      %mul3A_376 = vector.broadcast %mul3A_375 : f32 to vector<16xf32>
      %mul3A_377 = arith.mulf %mul3A_376, %abs3A_371 : vector<16xf32>
      %mul3A_378 = arith.mulf %mul3A_377, %abs3A_371 : vector<16xf32>
      %sub3A_379 = arith.constant 5.000000e-01 : f32
      %sub3A_380 = vector.broadcast %sub3A_379 : f32 to vector<16xf32>
      %sub3A_381 = arith.subf %abs3A_371, %sub3A_380 : vector<16xf32>
      %select_n3A_382 = arith.select %lt3A_374, %mul3A_378, %sub3A_381 : vector<16xi1>, vector<16xf32>
      %ge3A_383 = arith.constant 12 : i32
      %ge3A_384 = vector.broadcast %ge3A_383 : i32 to vector<16xi32>
      %ge3A_385 = arith.cmpi sge, %iota3A, %ge3A_384 : vector<16xi32>
      %slice3A_386 = vector.extract_strided_slice %get3A_87 {offsets = [11], sizes = [1], strides = [1]} : vector<16xf32> to vector<1xf32>
      %squeeze3A_387 = vector.extract %slice3A_386[0] : f32 from vector<1xf32>
      %ge3A_388 = arith.constant 8 : i32
      %ge3A_389 = vector.broadcast %ge3A_388 : i32 to vector<16xi32>
      %ge3A_390 = arith.cmpi sge, %iota3A, %ge3A_389 : vector<16xi32>
      %slice3A_391 = vector.extract_strided_slice %get3A_87 {offsets = [10], sizes = [1], strides = [1]} : vector<16xf32> to vector<1xf32>
      %squeeze3A_392 = vector.extract %slice3A_391[0] : f32 from vector<1xf32>
      %ge3A_393 = arith.constant 4 : i32
      %ge3A_394 = vector.broadcast %ge3A_393 : i32 to vector<16xi32>
      %ge3A_395 = arith.cmpi sge, %iota3A, %ge3A_394 : vector<16xi32>
      %slice3A_396 = vector.extract_strided_slice %get3A_87 {offsets = [9], sizes = [1], strides = [1]} : vector<16xf32> to vector<1xf32>
      %squeeze3A_397 = vector.extract %slice3A_396[0] : f32 from vector<1xf32>
      %slice3A_398 = vector.extract_strided_slice %get3A_87 {offsets = [8], sizes = [1], strides = [1]} : vector<16xf32> to vector<1xf32>
      %squeeze3A_399 = vector.extract %slice3A_398[0] : f32 from vector<1xf32>
      %broadcast_in_dim3A_400 = vector.broadcast %squeeze3A_397 : f32 to vector<16xf32>
      %broadcast_in_dim3A_401 = vector.broadcast %squeeze3A_399 : f32 to vector<16xf32>
      %select_n3A_402 = arith.select %ge3A_395, %broadcast_in_dim3A_400, %broadcast_in_dim3A_401 : vector<16xi1>, vector<16xf32>
      %broadcast_in_dim3A_403 = vector.broadcast %squeeze3A_392 : f32 to vector<16xf32>
      %select_n3A_404 = arith.select %ge3A_390, %broadcast_in_dim3A_403, %select_n3A_402 : vector<16xi1>, vector<16xf32>
      %broadcast_in_dim3A_405 = vector.broadcast %squeeze3A_387 : f32 to vector<16xf32>
      %select_n3A_406 = arith.select %ge3A_385, %broadcast_in_dim3A_405, %select_n3A_404 : vector<16xi1>, vector<16xf32>
      %gt3A_407 = arith.constant 0.000000e+00 : f32
      %gt3A_408 = vector.broadcast %gt3A_407 : f32 to vector<16xf32>
      %gt3A_409 = arith.cmpf ogt, %select_n3A_406, %gt3A_408 : vector<16xf32>
      %jit3A_410 = arith.constant 0.000000e+00 : f32
      %broadcast_in_dim3A_411 = vector.broadcast %jit3A_410 : f32 to vector<16xf32>
      %select_n3A_412 = arith.select %gt3A_409, %select_n3A_382, %broadcast_in_dim3A_411 : vector<16xi1>, vector<16xf32>
      %add3A_413 = arith.addf %add3A_355, %select_n3A_412 : vector<16xf32>
      %mul3A_414 = arith.constant 64 : i32
      %mul3A_415 = arith.muli %scan3A_78, %mul3A_414 : i32
      %add3A_416 = arith.constant 48 : i32
      %add3A_417 = arith.addi %mul3A_415, %add3A_416 : i32
      %add3A_418 = arith.constant 0 : i32
      %add3A_419 = arith.addi %add3A_418, %add3A_417 : i32
      %get3A_420 = arith.index_cast %add3A_419 : i32 to index
      %get3A_421 = tpu.vector_load %arg7[%get3A_420] {strides = array<i32>} : memref<23104xf32, #tpu.memory_space<vmem>>, vector<16xf32>,
      %get3A_422 = vector.shape_cast %get3A_421 : vector<16xf32> to vector<16xf32>
      %add3A_423 = arith.constant 9216 : i32
      %add3A_424 = arith.addi %add3A_423, %add3A_417 : i32
      %get3A_425 = arith.index_cast %add3A_424 : i32 to index
      %get3A_426 = tpu.vector_load %arg7[%get3A_425] {strides = array<i32>} : memref<23104xf32, #tpu.memory_space<vmem>>, vector<16xf32>,
      %get3A_427 = vector.shape_cast %get3A_426 : vector<16xf32> to vector<16xf32>
      %sub3A_428 = arith.subf %get3A_422, %get3A_427 : vector<16xf32>
      %abs3A_429 = math.absf %sub3A_428 : vector<16xf32>
      %lt3A_430 = arith.constant 1.000000e+00 : f32
      %lt3A_431 = vector.broadcast %lt3A_430 : f32 to vector<16xf32>
      %lt3A_432 = arith.cmpf olt, %abs3A_429, %lt3A_431 : vector<16xf32>
      %mul3A_433 = arith.constant 5.000000e-01 : f32
      %mul3A_434 = vector.broadcast %mul3A_433 : f32 to vector<16xf32>
      %mul3A_435 = arith.mulf %mul3A_434, %abs3A_429 : vector<16xf32>
      %mul3A_436 = arith.mulf %mul3A_435, %abs3A_429 : vector<16xf32>
      %sub3A_437 = arith.constant 5.000000e-01 : f32
      %sub3A_438 = vector.broadcast %sub3A_437 : f32 to vector<16xf32>
      %sub3A_439 = arith.subf %abs3A_429, %sub3A_438 : vector<16xf32>
      %select_n3A_440 = arith.select %lt3A_432, %mul3A_436, %sub3A_439 : vector<16xi1>, vector<16xf32>
      %ge3A_441 = arith.constant 12 : i32
      %ge3A_442 = vector.broadcast %ge3A_441 : i32 to vector<16xi32>
      %ge3A_443 = arith.cmpi sge, %iota3A, %ge3A_442 : vector<16xi32>
      %slice3A_444 = vector.extract_strided_slice %get3A_87 {offsets = [15], sizes = [1], strides = [1]} : vector<16xf32> to vector<1xf32>
      %squeeze3A_445 = vector.extract %slice3A_444[0] : f32 from vector<1xf32>
      %ge3A_446 = arith.constant 8 : i32
      %ge3A_447 = vector.broadcast %ge3A_446 : i32 to vector<16xi32>
      %ge3A_448 = arith.cmpi sge, %iota3A, %ge3A_447 : vector<16xi32>
      %slice3A_449 = vector.extract_strided_slice %get3A_87 {offsets = [14], sizes = [1], strides = [1]} : vector<16xf32> to vector<1xf32>
      %squeeze3A_450 = vector.extract %slice3A_449[0] : f32 from vector<1xf32>
      %ge3A_451 = arith.constant 4 : i32
      %ge3A_452 = vector.broadcast %ge3A_451 : i32 to vector<16xi32>
      %ge3A_453 = arith.cmpi sge, %iota3A, %ge3A_452 : vector<16xi32>
      %slice3A_454 = vector.extract_strided_slice %get3A_87 {offsets = [13], sizes = [1], strides = [1]} : vector<16xf32> to vector<1xf32>
      %squeeze3A_455 = vector.extract %slice3A_454[0] : f32 from vector<1xf32>
      %slice3A_456 = vector.extract_strided_slice %get3A_87 {offsets = [12], sizes = [1], strides = [1]} : vector<16xf32> to vector<1xf32>
      %squeeze3A_457 = vector.extract %slice3A_456[0] : f32 from vector<1xf32>
      %broadcast_in_dim3A_458 = vector.broadcast %squeeze3A_455 : f32 to vector<16xf32>
      %broadcast_in_dim3A_459 = vector.broadcast %squeeze3A_457 : f32 to vector<16xf32>
      %select_n3A_460 = arith.select %ge3A_453, %broadcast_in_dim3A_458, %broadcast_in_dim3A_459 : vector<16xi1>, vector<16xf32>
      %broadcast_in_dim3A_461 = vector.broadcast %squeeze3A_450 : f32 to vector<16xf32>
      %select_n3A_462 = arith.select %ge3A_448, %broadcast_in_dim3A_461, %select_n3A_460 : vector<16xi1>, vector<16xf32>
      %broadcast_in_dim3A_463 = vector.broadcast %squeeze3A_445 : f32 to vector<16xf32>
      %select_n3A_464 = arith.select %ge3A_443, %broadcast_in_dim3A_463, %select_n3A_462 : vector<16xi1>, vector<16xf32>
      %gt3A_465 = arith.constant 0.000000e+00 : f32
      %gt3A_466 = vector.broadcast %gt3A_465 : f32 to vector<16xf32>
      %gt3A_467 = arith.cmpf ogt, %select_n3A_464, %gt3A_466 : vector<16xf32>
      %jit3A_468 = arith.constant 0.000000e+00 : f32
      %broadcast_in_dim3A_469 = vector.broadcast %jit3A_468 : f32 to vector<16xf32>
      %select_n3A_470 = arith.select %gt3A_467, %select_n3A_440, %broadcast_in_dim3A_469 : vector<16xi1>, vector<16xf32>
      %add3A_471 = arith.addf %add3A_413, %select_n3A_470 : vector<16xf32>
      scf.yield %add3A_229, %add3A_235, %add3A_244, %add3A_471 : vector<16xf32>, vector<16xf32>, vector<16xf32>, vector<16xf32>
    }
    %scan3A_58 = arith.constant 144 : i32
    %swap3A = arith.constant 23040 : index
    %swap3A_59 = tpu.vector_load %arg7[%swap3A] {strides = array<i32>} : memref<23104xf32, #tpu.memory_space<vmem>>, vector<16xf32>,
    %swap3A_60 = vector.shape_cast %swap3A_59 : vector<16xf32> to vector<16xf32>
    %swap3A_61 = vector.shape_cast %scan3A_57#0 : vector<16xf32> to vector<16xf32>
    tpu.vector_store %arg7[%swap3A], %swap3A_61 {strides = array<i32>} : memref<23104xf32, #tpu.memory_space<vmem>>, vector<16xf32>,
    %swap3A_62 = arith.constant 23056 : index
    %swap3A_63 = tpu.vector_load %arg7[%swap3A_62] {strides = array<i32>} : memref<23104xf32, #tpu.memory_space<vmem>>, vector<16xf32>,
    %swap3A_64 = vector.shape_cast %swap3A_63 : vector<16xf32> to vector<16xf32>
    %swap3A_65 = vector.shape_cast %scan3A_57#1 : vector<16xf32> to vector<16xf32>
    tpu.vector_store %arg7[%swap3A_62], %swap3A_65 {strides = array<i32>} : memref<23104xf32, #tpu.memory_space<vmem>>, vector<16xf32>,
    %swap3A_66 = arith.constant 23072 : index
    %swap3A_67 = tpu.vector_load %arg7[%swap3A_66] {strides = array<i32>} : memref<23104xf32, #tpu.memory_space<vmem>>, vector<16xf32>,
    %swap3A_68 = vector.shape_cast %swap3A_67 : vector<16xf32> to vector<16xf32>
    %swap3A_69 = vector.shape_cast %scan3A_57#3 : vector<16xf32> to vector<16xf32>
    tpu.vector_store %arg7[%swap3A_66], %swap3A_69 {strides = array<i32>} : memref<23104xf32, #tpu.memory_space<vmem>>, vector<16xf32>,
    %swap3A_70 = arith.constant 23088 : index
    %swap3A_71 = tpu.vector_load %arg7[%swap3A_70] {strides = array<i32>} : memref<23104xf32, #tpu.memory_space<vmem>>, vector<16xf32>,
    %swap3A_72 = vector.shape_cast %swap3A_71 : vector<16xf32> to vector<16xf32>
    %swap3A_73 = vector.shape_cast %scan3A_57#2 : vector<16xf32> to vector<16xf32>
    tpu.vector_store %arg7[%swap3A_70], %swap3A_73 {strides = array<i32>} : memref<23104xf32, #tpu.memory_space<vmem>>, vector<16xf32>,
    %mul3A_74 = arith.constant 4 : i32
    %mul3A_75 = arith.muli %arg1, %mul3A_74 : i32
    %mul3A_76 = arith.constant 16 : i32
    %mul3A_77 = arith.muli %mul3A_75, %mul3A_76 : i32
    "tpu.region"() ({
      %run_scoped3A = tpu.sem_alloc : memref<!tpu.dma_semaphore, #tpu.memory_space<semaphore_mem>>
      %dma_start3A_78 = arith.constant 23040 : i32
      %dma_start3A_79 = tpu.memref_slice %arg7[%dma_start3A_78] : memref<23104xf32, #tpu.memory_space<vmem>> -> memref<64xf32, #tpu.memory_space<vmem>>
      %dma_start3A_80 = tpu.memref_slice %arg6[%mul3A_77] : memref<1024xf32, #tpu.memory_space<hbm>> -> memref<64xf32, #tpu.memory_space<hbm>>
      %dma_start3A_81 = tpu.memref_slice %arg6[%mul3A_77] : memref<1024xf32, #tpu.memory_space<hbm>> -> memref<64xf32, #tpu.memory_space<hbm>>
      %dma_start3A_82 = arith.constant 23040 : i32
      %dma_start3A_83 = tpu.memref_slice %arg7[%dma_start3A_82] : memref<23104xf32, #tpu.memory_space<vmem>> -> memref<64xf32, #tpu.memory_space<vmem>>
      tpu.enqueue_dma source(%dma_start3A_83 : memref<64xf32, #tpu.memory_space<vmem>>) target(%dma_start3A_81 : memref<64xf32, #tpu.memory_space<hbm>>) target_semaphore(%run_scoped3A : memref<!tpu.dma_semaphore, #tpu.memory_space<semaphore_mem>>)
      %dma_wait3A_84 = arith.constant 23040 : i32
      %dma_wait3A_85 = tpu.memref_slice %arg7[%dma_wait3A_84] : memref<23104xf32, #tpu.memory_space<vmem>> -> memref<64xf32, #tpu.memory_space<vmem>>
      %dma_wait3A_86 = tpu.memref_slice %arg6[%mul3A_77] : memref<1024xf32, #tpu.memory_space<hbm>> -> memref<64xf32, #tpu.memory_space<hbm>>
      %dma_wait3A_87 = tpu.memref_slice %arg6[%mul3A_77] : memref<1024xf32, #tpu.memory_space<hbm>> -> memref<64xf32, #tpu.memory_space<hbm>>
      %dma_wait3A_88 = arith.constant 23040 : i32
      %dma_wait3A_89 = tpu.memref_slice %arg7[%dma_wait3A_88] : memref<23104xf32, #tpu.memory_space<vmem>> -> memref<64xf32, #tpu.memory_space<vmem>>
      tpu.wait_dma2 semaphore(%run_scoped3A : memref<!tpu.dma_semaphore, #tpu.memory_space<semaphore_mem>>) src(%dma_wait3A_89 : memref<64xf32, #tpu.memory_space<vmem>>) dst(%dma_wait3A_87 : memref<64xf32, #tpu.memory_space<hbm>>)
      tpu.yield
    }) : () -> ()
    return
  }
}

module attributes {stable_mosaic.version = 14 : i64} {
  func.func @_combine_body(%arg0: memref<64x16xf32, #tpu.memory_space<vmem>>, %arg1: memref<1x1xf32, #tpu.memory_space<smem>>) attributes {dimension_semantics = [], scalar_prefetch = 0 : i64, scratch_operands = 0 : i64, tpu.core_type = #tpu.core_type<tc>} {
    %get3A = arith.constant 0 : index
    %get3A_0 = arith.constant 0 : index
    %get3A_1 = vector.load %arg0[%get3A, %get3A_0] : memref<64x16xf32, #tpu.memory_space<vmem>>, vector<64x16xf32>
    %iota3A = tpu.iota {dimensions = array<i32: 0>} : vector<64x16xi32>
    %rem3A = arith.constant 4 : i32
    %rem3A_2 = vector.broadcast %rem3A : i32 to vector<64x16xi32>
    %rem3A_3 = arith.remsi %iota3A, %rem3A_2 : vector<64x16xi32>
    %eq3A = arith.constant 0 : i32
    %eq3A_4 = vector.broadcast %eq3A : i32 to vector<64x16xi32>
    %eq3A_5 = arith.cmpi eq, %rem3A_3, %eq3A_4 : vector<64x16xi32>
    %jit3A = arith.constant 0.000000e+00 : f32
    %broadcast_in_dim3A = vector.broadcast %jit3A : f32 to vector<64x16xf32>
    %select_n3A = arith.select %eq3A_5, %get3A_1, %broadcast_in_dim3A : vector<64x16xi1>, vector<64x16xf32>
    %reduce_sum3A = vector.shape_cast %select_n3A : vector<64x16xf32> to vector<1x64x16xf32>
    %reduce_sum3A_6 = arith.constant dense<0.000000e+00> : vector<1xf32>
    %reduce_sum3A_7 = vector.multi_reduction <add>, %reduce_sum3A, %reduce_sum3A_6 [1, 2] : vector<1x64x16xf32> to vector<1xf32>
    %reduce_sum3A_8 = vector.shape_cast %reduce_sum3A_7 : vector<1xf32> to vector<1x1x1xf32>
    %reduce_sum3A_9 = vector.extract %reduce_sum3A_8[0, 0, 0] : f32 from vector<1x1x1xf32>
    %eq3A_10 = arith.constant 1 : i32
    %eq3A_11 = vector.broadcast %eq3A_10 : i32 to vector<64x16xi32>
    %eq3A_12 = arith.cmpi eq, %rem3A_3, %eq3A_11 : vector<64x16xi32>
    %jit3A_13 = arith.constant 0.000000e+00 : f32
    %broadcast_in_dim3A_14 = vector.broadcast %jit3A_13 : f32 to vector<64x16xf32>
    %select_n3A_15 = arith.select %eq3A_12, %get3A_1, %broadcast_in_dim3A_14 : vector<64x16xi1>, vector<64x16xf32>
    %reduce_sum3A_16 = vector.shape_cast %select_n3A_15 : vector<64x16xf32> to vector<1x64x16xf32>
    %reduce_sum3A_17 = arith.constant dense<0.000000e+00> : vector<1xf32>
    %reduce_sum3A_18 = vector.multi_reduction <add>, %reduce_sum3A_16, %reduce_sum3A_17 [1, 2] : vector<1x64x16xf32> to vector<1xf32>
    %reduce_sum3A_19 = vector.shape_cast %reduce_sum3A_18 : vector<1xf32> to vector<1x1x1xf32>
    %reduce_sum3A_20 = vector.extract %reduce_sum3A_19[0, 0, 0] : f32 from vector<1x1x1xf32>
    %eq3A_21 = arith.constant 2 : i32
    %eq3A_22 = vector.broadcast %eq3A_21 : i32 to vector<64x16xi32>
    %eq3A_23 = arith.cmpi eq, %rem3A_3, %eq3A_22 : vector<64x16xi32>
    %jit3A_24 = arith.constant 0.000000e+00 : f32
    %broadcast_in_dim3A_25 = vector.broadcast %jit3A_24 : f32 to vector<64x16xf32>
    %select_n3A_26 = arith.select %eq3A_23, %get3A_1, %broadcast_in_dim3A_25 : vector<64x16xi1>, vector<64x16xf32>
    %reduce_sum3A_27 = vector.shape_cast %select_n3A_26 : vector<64x16xf32> to vector<1x64x16xf32>
    %reduce_sum3A_28 = arith.constant dense<0.000000e+00> : vector<1xf32>
    %reduce_sum3A_29 = vector.multi_reduction <add>, %reduce_sum3A_27, %reduce_sum3A_28 [1, 2] : vector<1x64x16xf32> to vector<1xf32>
    %reduce_sum3A_30 = vector.shape_cast %reduce_sum3A_29 : vector<1xf32> to vector<1x1x1xf32>
    %reduce_sum3A_31 = vector.extract %reduce_sum3A_30[0, 0, 0] : f32 from vector<1x1x1xf32>
    %eq3A_32 = arith.constant 3 : i32
    %eq3A_33 = vector.broadcast %eq3A_32 : i32 to vector<64x16xi32>
    %eq3A_34 = arith.cmpi eq, %rem3A_3, %eq3A_33 : vector<64x16xi32>
    %jit3A_35 = arith.constant 0.000000e+00 : f32
    %broadcast_in_dim3A_36 = vector.broadcast %jit3A_35 : f32 to vector<64x16xf32>
    %select_n3A_37 = arith.select %eq3A_34, %get3A_1, %broadcast_in_dim3A_36 : vector<64x16xi1>, vector<64x16xf32>
    %reduce_sum3A_38 = vector.shape_cast %select_n3A_37 : vector<64x16xf32> to vector<1x64x16xf32>
    %reduce_sum3A_39 = arith.constant dense<0.000000e+00> : vector<1xf32>
    %reduce_sum3A_40 = vector.multi_reduction <add>, %reduce_sum3A_38, %reduce_sum3A_39 [1, 2] : vector<1x64x16xf32> to vector<1xf32>
    %reduce_sum3A_41 = vector.shape_cast %reduce_sum3A_40 : vector<1xf32> to vector<1x1x1xf32>
    %reduce_sum3A_42 = vector.extract %reduce_sum3A_41[0, 0, 0] : f32 from vector<1x1x1xf32>
    %max3A = arith.constant 1.000000e+00 : f32
    %max3A_43 = arith.maximumf %reduce_sum3A_20, %max3A : f32
    %div3A = arith.divf %reduce_sum3A_9, %max3A_43 : f32
    %max3A_44 = arith.constant 1.000000e-07 : f32
    %max3A_45 = arith.maximumf %max3A_44, %reduce_sum3A_42 : f32
    %div3A_46 = arith.divf %reduce_sum3A_31, %max3A_45 : f32
    %mul3A = arith.constant 1.000000e+01 : f32
    %mul3A_47 = arith.mulf %mul3A, %div3A_46 : f32
    %add3A = arith.addf %div3A, %mul3A_47 : f32
    %swap3A = arith.constant 0 : index
    %swap3A_48 = arith.constant 0 : index
    %swap3A_49 = memref.load %arg1[%swap3A, %swap3A_48] : memref<1x1xf32, #tpu.memory_space<smem>>
    memref.store %add3A, %arg1[%swap3A, %swap3A_48] : memref<1x1xf32, #tpu.memory_space<smem>>
    return
  }
}

</mosaic_0001>

<sc_bundles>
// kernel: kernel.4.cloned.1.call-start
scs
__scs_entry_jumppad:
0x0: {  	(pc) =	sbr.rel $0x88, $3  }
0x1: {  	(tag) =	ssettag $0x0;
	lr =	simm.s32 $0x1  }
0x2: {  	[smem:$0x3F9D] =	sst lr;
	_ =	strace $0xD0000000  }
0x3: {  	_ = 	snop  }
0x4: {  	_ = 	snop  }
0x5: {  	_ = 	snop  }
0x6: {  	_ = 	snop  }
0x7: {  	_ = 	snop  }
__scs_overlays_trampoline_lowered:
0x8: {  	[smem:$0x3FAC] =	sst s0  }
0x9: {  	[smem:$0x3FAD] =	sst s1  }
0xa: {  	[smem:$0x3FAE] =	sst s2  }
0xb: {  	[smem:$0x3FAF] =	sst s3  }
0xc: {  	[smem:$0x3FB0] =	sst s4  }
0xd: {  	[smem:$0x3FB1] =	sst s5  }
0xe: {  	[smem:$0x3FB2] =	sst s6  }
0xf: {  	[smem:$0x3FB3] =	sst s7  }
0x10: {  	[smem:$0x3FB4] =	sst s8  }
0x11: {  	[smem:$0x3FB5] =	sst s9;
	s0 =	simm.s32 @!p0 $0x0  }
0x12: {  	s1 =	sld [smem:$0x3F9B];
	s0 =	simm.s32 @p0 $0x1  }
0x13: {  	[smem:$0x3FB6] =	sst s0;
	s0 =	simm.s32 @!p1 $0x0  }
0x14: {  	s2 =	sld [smem:$0x3F9A];
	s0 =	simm.s32 @p1 $0x1  }
0x15: {  	[smem:$0x3FB7] =	sst s0;
	s0 =	simm.s32 @!p2 $0x0  }
0x16: {  	s3 =	sld [smem:$0x3FDB];
	s0 =	simm.s32 @p2 $0x1  }
0x17: {  	s4 =	simm.s32 $0x1BF5;
	[smem:$0x3FB9] =	sst s0  }
0x18: {  	s0 =	sld [smem:$0x3F9C];
	_ =	swait.ge [sflag:s4], $0x0  }
0x19: {  	s7 =	sld [smem:$0x3F9D]  }
0x1a: {  	s8 =	sadd.s32 $0xFFFFE003, lr  }
0x1b: {  	s9 =	sadd.s32 $0xFFFFFEF7, lr;
	s5 =	simm.s32 $0xFFFFFFFF;
	p2 =	slt.u32 s8, $0xFFFFF086  }
0x1c: {  	p1 =	slt.u32 s9, $0xF7A;
	s5 =	simm.s32 @!p2 $0x0  }
0x1d: {  	s5 =	simm.s32 @p1 $0x1;
	p0 =	seq.s32 s7, s2  }
0x1e: {  	s7 =	smul.u32 @!p0 $0xF7A, s2;
	p2 =	seq.s32 @!p0 s5, $0x0  }
0x1f: {  	s9 =	smul.u32 $0xF7A, s1;
	s8 =	simm.s32 @!p0 $0x1BF5;
	p2 =	por !p2, p0  }
0x20: {  	[sflag:s8] =	ssyncset.s32 @!p0 $0xFFFFF086;
	s6 =	sadd.s32 @!p0 s3, s7;
	s7 =	simm.s32 @!p0 $0x108  }
0x21: {  	s3 =	sadd.s32 s3, s9;
	s6 =	sadd.s32 @!p0 $0x88, s6;
	s7 =	simm.s32 @p2 $0x1082  }
0x22: {  	[simem:s7], [sflag:s8] =	dma.local @!p0 [hbm:s6], $0xF7A  }
0x23: {  	s9 =	sor.u32 $0xD0000000, s2;
	s6 =	simm.s32 $0x108;
	_ =	swait.ge @!p0 [sflag:s8], $0x0  }
0x24: {  	s3 =	sadd.s32 $0x88, s3;
	s6 =	simm.s32 @!p1 $0x1082;
	[sflag:s4] =	ssyncset.s32 $0xFFFFF086  }
0x25: {  	[simem:s6], [sflag:s4] =	dma.local [hbm:s3], $0xF7A  }
0x26: {  	[smem:$0x3F9D] =	sst s1;
	(tag) =	ssettag s2;
	_ =	strace s9  }
0x27: {  	s1 =	sld [smem:$0x3FAD]  }
0x28: {  	s2 =	sld [smem:$0x3FAE]  }
0x29: {  	s4 =	sld [smem:$0x3FB0]  }
0x2a: {  	p0 =	seq.s32 s5, $0x0;
	s5 =	sld [smem:$0x3FB1]  }
0x2b: {  	s6 =	sld [smem:$0x3FB2]  }
0x2c: {  	s7 =	sld [smem:$0x3FB3]  }
0x2d: {  	s3 =	simm.s32 $0x108;
	s8 =	sld [smem:$0x3FB4]  }
0x2e: {  	s3 =	simm.s32 @!p0 $0x1082;
	s9 =	sld [smem:$0x3FB5]  }
0x2f: {  	lr =	sadd.s32 s0, s3;
	s0 =	sld [smem:$0x3FAC]  }
0x30: {  	s3 =	sld [smem:$0x3FAF]  }
0x31: {  	[smem:$0x3FB8] =	sst s10  }
0x32: {  	s10 =	sld [smem:$0x3FB6];
	_ =	sdelay $0x3  }
0x33: {  	p0 =	seq.s32 s10, $0x1;
	s10 =	sld [smem:$0x3FB8];
	_ =	sdelay $0x3  }
0x34: {  	[smem:$0x3FB8] =	sst s10  }
0x35: {  	s10 =	sld [smem:$0x3FB7];
	_ =	sdelay $0x3  }
0x36: {  	p1 =	seq.s32 s10, $0x1;
	s10 =	sld [smem:$0x3FB8];
	_ =	sdelay $0x3  }
0x37: {  	[smem:$0x3FB8] =	sst s10  }
0x38: {  	s10 =	sld [smem:$0x3FB9]  }
0x39: {  	_ = 	snop;
	(pc) =	sbr.ind lr, $3  }
0x3a: {  	_ = 	snop  }
0x3b: {  	_ = 	snop  }
0x3c: {  	p2 =	seq.s32 s10, $0x1;
	s10 =	sld [smem:$0x3FB8]  }
0x3d: {  	_ =	shalt  }
0x3e: {  	_ =	shalt  }
0x3f: {  	_ =	shalt  }
0x40: {  	_ =	shalt  }
0x41: {  	_ =	shalt  }
0x42: {  	_ =	shalt  }
0x43: {  	_ =	shalt  }
0x44: {  	_ =	shalt  }
0x45: {  	_ =	shalt  }
0x46: {  	_ =	shalt  }
0x47: {  	_ =	shalt  }
0x48: {  	_ =	shalt  }
0x49: {  	_ =	shalt  }
0x4a: {  	_ =	shalt  }
0x4b: {  	_ =	shalt  }
0x4c: {  	_ =	shalt  }
0x4d: {  	_ =	shalt  }
0x4e: {  	_ =	shalt  }
0x4f: {  	_ =	shalt  }
0x50: {  	_ =	shalt  }
0x51: {  	_ =	shalt  }
0x52: {  	_ =	shalt  }
0x53: {  	_ =	shalt  }
0x54: {  	_ =	shalt  }
0x55: {  	_ =	shalt  }
0x56: {  	_ =	shalt  }
0x57: {  	_ =	shalt  }
0x58: {  	_ =	shalt  }
0x59: {  	_ =	shalt  }
0x5a: {  	_ =	shalt  }
0x5b: {  	_ =	shalt  }
0x5c: {  	_ =	shalt  }
0x5d: {  	_ =	shalt  }
0x5e: {  	_ =	shalt  }
0x5f: {  	_ =	shalt  }
0x60: {  	_ =	shalt  }
0x61: {  	_ =	shalt  }
0x62: {  	_ =	shalt  }
0x63: {  	_ =	shalt  }
0x64: {  	_ =	shalt  }
0x65: {  	_ =	shalt  }
0x66: {  	_ =	shalt  }
0x67: {  	_ =	shalt  }
0x68: {  	_ =	shalt  }
0x69: {  	_ =	shalt  }
0x6a: {  	_ =	shalt  }
0x6b: {  	_ =	shalt  }
0x6c: {  	_ =	shalt  }
0x6d: {  	_ =	shalt  }
0x6e: {  	_ =	shalt  }
0x6f: {  	_ =	shalt  }
0x70: {  	_ =	shalt  }
0x71: {  	_ =	shalt  }
0x72: {  	_ =	shalt  }
0x73: {  	_ =	shalt  }
0x74: {  	_ =	shalt  }
0x75: {  	_ =	shalt  }
0x76: {  	_ =	shalt  }
0x77: {  	_ =	shalt  }
0x78: {  	_ =	shalt  }
0x79: {  	_ =	shalt  }
0x7a: {  	_ =	shalt  }
0x7b: {  	_ =	shalt  }
0x7c: {  	_ =	shalt  }
0x7d: {  	_ =	shalt  }
0x7e: {  	_ =	shalt  }
0x7f: {  	_ =	shalt  }
0x80: {  	_ =	shalt  }
0x81: {  	_ =	shalt  }
0x82: {  	_ =	shalt  }
0x83: {  	_ =	shalt  }
0x84: {  	_ =	shalt  }
0x85: {  	_ =	shalt  }
0x86: {  	_ =	shalt  }
0x87: {  	_ =	shalt  }
.Lfunc_end0:
.L_simem_size_0:
called_computation_lowered:
.L_overlay_start_0:
0x88: {  	s0 =	sld [smem:$0x3FD9]  }
0x89: {  	s1 =	sld [smem:$0x3FFE];
	_ =	sdelay $0x3  }
0x8a: {  	s0 =	sadd.s32 s1, s0  }
0x8b: {  	[smem:$0x3FC4] =	sst s0  }
0x8c: {  	_ = 	snop  }
0x8d: {  	s0 =	sld [smem:$0x3FC7]  }
0x8e: {  	s16 =	sld [smem:$0x3FC6];
	(tm) =	ssettm $0x1  }
0x8f: {  	s2 =	sld [smem:$0x3FFB];
	_ =	sdelay $0x3  }
0x90: {  	_ =	strace s2  }
0x91: {  	s2 =	sld [smem:$0x3FFC];
	_ =	sdelay $0x3  }
0x92: {  	_ =	strace s2  }
0x93: {  	s2 =	sld [smem:$0x3FFD];
	_ =	sdelay $0x3  }
0x94: {  	_ =	strace s2  }
0x95: {  	_ =	strace $0x8FFFFFFF  }
0x96: {  	s17 =	sld [smem:$0x3FDB];
	_ =	sdelay $0x1  }
0x97: {  	s3 =	simm.s32 $_scs_section_size  }
0x98: {  	s4 =	simm.s32 $_size__tile_overlayer_lowered;
	s5 =	simm.s32 $_tile_overlayer_lowered  }
0x99: {  	s20 =	simm.s32 $0x1BFF;
	s19 =	sshll.u32 s5, $0x1;
	s2 =	sadd.s32 s3, s17  }
0x9a: {  	s6 =	simm.s32 $0x0;
	s18 =	sshll.u32 s4, $0x1;
	s4 =	sadd.s32 s19, s2  }
0x9b: {  	[timem:s6], [sflag:s20] =	dma.local [hbm:s4], s18  }
0x9c: {  	_ =	swait.ge [sflag:s20], s18  }
0x9d: {  	s3 =	ssub.s32 $0x0, s18;
	[sflag:s20] =	ssyncset.done $0x0  }
0x9e: {  	[sflag:s20] =	ssyncadd.s32 s3;
	_ =	sdelay $0x1  }
0x9f: {  	s21 =	simm.s32 $0x1B8B  }
0xa0: {  	_ =	swait.ge [sflag:s21], $0x1  }
0xa1: {  	[sflag:s21] =	ssyncset.done $0x0  }
0xa2: {  	s23 =	simm.s32 $0x1B8E;
	s22 =	sld [smem:$0x3FFE];
	[sflag:s21] =	ssyncadd.s32 $0xFFFFFFFF  }
0xa3: {  	s24 =	simm.s32 $execute0_lowered;
	[smem:$0x3FD2] =	sst s23  }
0xa4: {  	s4 =	sshll.u32 s24, $0x1;
	_ =	strace $0x80000046;
	[dreg:$0x1] =	wrdreg $0xFFFFFFFF  }
0xa5: {  	s25 =	simm.s32 $_size_execute0_lowered;
	s2 =	sadd.s32 s2, s4;
	[dreg:$0x0] =	wrdreg $0x0  }
0xa6: {  	s4 =	sshll.u32 s25, $0x1;
	[dreg:$0x2] =	wrdreg s2  }
0xa7: {  	[dreg:$0x3] =	wrdreg s4  }
0xa8: {  	[dreg:$0x4] =	wrdreg $0xC0  }
0xa9: {  	_ =	task [dreg:s6], $0x5FFFF  }
0xaa: {  	[dreg:$0x1] =	wrdreg $0xFFFFFFFF  }
0xab: {  	[dreg:$0x0] =	wrdreg $0x60  }
0xac: {  	[dreg:$0x2] =	wrdreg s22  }
0xad: {  	[dreg:$0x3] =	wrdreg s0  }
0xae: {  	[dreg:$0x4] =	wrdreg s16  }
0xaf: {  	[dreg:$0x5] =	wrdreg $0x9  }
0xb0: {  	_ =	task.clear_ibuf [dreg:s6], $0x6FFFF;
	_ =	strace $0x90000046  }
0xb1: {  	s26 =	simm.s32 $0x9;
	_ =	strace $0x80000048  }
0xb2: {  	_ =	swait.ge [sflag:s26], $0x1  }
0xb3: {  	[sflag:s26] =	ssyncadd.s32 $0xFFFFFFFF  }
0xb4: {  	_ =	strace $0x90000048  }
0xb5: {  	_ =	sfence  }
0xb6: {  	s28 =	sld [smem:$0x0];
	_ =	sdelay $0x1  }
0xb7: {  	s29 =	srdreg.scid  }
0xb8: {  	s30 =	sshll.u32 s29, $0xD;
	s31 =	sshrl.u32 s29, $0x2  }
0xb9: {  	s1 =	sand.u32 $0x1, s29;
	s2 =	sand.u32 $0x4000, s30;
	s0 =	sadd.s32 s31, s28  }
0xba: {  	s1 =	sor.u32 s2, s1;
	s0 =	sshll.u32 s0, $0x11  }
0xbb: {  	s0 =	sor.u32 s0, s1  }
0xbc: {  	s0 =	sadd.s32 $0x8F2B, s0  }
0xbd: {  	[sflag:s0] =	ssyncadd.remote.s32 $0x1  }
0xbe: {  	_ =	sfence.sel $0xFFFF  }
0xbf: {  	[dreg:$0x0] =	wrdreg $0xFFFFFFFF;
	(pc) =	sbr.abs _section_cstart, $3  }
0xc0: {  	[dreg:$0x1] =	wrdreg $0xFFFFFFFF  }
0xc1: {  	_ =	task.clear_ibuf [dreg:s6], $0x2FFFF;
	_ =	strace $0x9FFFFFFF  }
0xc2: {  	(tm) =	ssettm $0x7FFFFFFF  }
0xc3: {  	_ =	shalt  }
tec
execute0_lowered:
.L_overlay_start_1:
0x0: {  	(tag) =	ssettag $0x1  }
0x1: {  	s2 =	rddreg [dreg:$0x0];
	s0 =	stileid.u32  }
0x2: {  	s3 =	rddreg [dreg:$0x1];
	s5 =	smul.u32 $0x480, s0  }
0x3: {  	s4 =	rddreg [dreg:$0x2];
	s6 =	simm.s32 $0x0  }
0x4: {  	[smem:$0x7FF] =	sst s6;
	s5 =	sadd.s32 s5, s2  }
0x5: {  	s1 =	rddreg [dreg:$0x3];
	_ =	strace $0x80000047;
	s7 =	sadd.s32 $0x600, s5  }
0x6: {  	[tilespmem:s6], [sflag:$0x1] =	stream.linear.gather [hbm4b:s7+s6], $0x2400, $0x38;
	[tilespmem:$0x5A80] =	vst v63  }
0x7: {  	s8 =	simm.s32 $0x2400;
	s19 =	smul.u32 $0x120, s0;
	s5 =	sadd.s32 $0x4E00, s5  }
0x8: {  	[tilespmem:s8], [sflag:$0x1] =	stream.linear.gather [hbm4b:s5+s6], $0x2400, $0x38;
	[tilespmem:$0x5A80] =	vst v63  }
0x9: {  	s20 =	simm.s32 $0x4800;
	s3 =	sadd.s32 s3, s19  }
0xa: {  	[tilespmem:s20], [sflag:$0x1] =	stream.linear.gather [hbm4b:s3+s6], $0x900, $0x38;
	[tilespmem:$0x5A80] =	vst v63  }
0xb: {  	s22 =	simm.s32 $0x5100;
	s23 =	simm.s32 $0x1;
	s21 =	sadd.s32 s4, s19  }
0xc: {  	[tilespmem:s22], [sflag:$0x1] =	stream.linear.gather [hbm4b:s21+s6], $0x900, $0x38;
	[tilespmem:$0x5A80] =	vst v63  }
0xd: {  	_ =	swait.ge [sflag:s23], $0x2400  }
0xe: {  	[sflag:s23] =	ssyncset.done $0x0  }
0xf: {  	[sflag:s23] =	ssyncadd.s32 $0xFFFFDC00  }
0x10: {  	_ =	swait.ge [sflag:s23], $0x2400  }
0x11: {  	[sflag:s23] =	ssyncset.done $0x0  }
0x12: {  	[sflag:s23] =	ssyncadd.s32 $0xFFFFDC00  }
0x13: {  	_ =	swait.ge [sflag:s23], $0x900  }
0x14: {  	[sflag:s23] =	ssyncset.done $0x0  }
0x15: {  	[sflag:s23] =	ssyncadd.s32 $0xFFFFF700  }
0x16: {  	_ =	swait.ge [sflag:s23], $0x900  }
0x17: {  	[sflag:s23] =	ssyncset.done $0x0  }
0x18: {  	s24 =	sand.u32 $0xFF0, s6;
	[sflag:s23] =	ssyncadd.s32 $0xFFFFF700  }
0x19: {  	v3 =	vld [tilespmem:s24+$0x4800]  }
0x1a: {  	v1 =	vld [tilespmem:s6+$0x30]  }
0x1b: {  	v2 =	vld [tilespmem:s6+$0x2430]  }
0x1c: {  	v4 =	vld [tilespmem:s6+$0x20]  }
0x1d: {  	v5 =	vld [tilespmem:s6+$0x2420]  }
0x1e: {  	v7 =	vld [tilespmem:s6+$0x10]  }
0x1f: {  	v9 =	vld [tilespmem:s6+$0x2410];
	v8 =	vbroadcast v3, $0xF  }
0x20: {  	v0 =	vimm.f32 $0.0e+00;
	s25 =	sand.u32 $0x3FC0, s6;
	v13 =	vld [tilespmem:s6+$0x0];
	v10 =	vbroadcast v3, $0xB;
	v11 =	vbroadcast v3, $0xE  }
0x21: {  	vm2 =	vmmov $0xf;
	s28 =	simm.s32 $0x40;
	v17 =	vld [tilespmem:s25+$0x2400];
	v14 =	vbroadcast v3, $0xD;
	v15 =	vbroadcast v3, $0xC  }
0x22: {  	vm1 =	vmmov $0xff;
	s4 =	sand.u32 $0x3FC0, s28;
	v28 =	vld [tilespmem:s28+$0x0];
	v18 =	vbroadcast v3, $0x7;
	v19 =	vbroadcast v3, $0xA  }
0x23: {  	vm0 =	vmmov $0xfff;
	v32 =	vld [tilespmem:s4+$0x2400];
	v21 =	vbroadcast v3, $0x9;
	v22 =	vbroadcast v3, $0x8  }
0x24: {  	v6 =	vmax.f32 v3, $1.000000010e-07;
	v23 =	vbroadcast v3, $0x3;
	v24 =	vbroadcast v3, $0x6  }
0x25: {  	v1 =	vsub.f32 v1, v2;
	v2 =	vbroadcast v3, $0x5;
	v25 =	vbroadcast v3, $0x4  }
0x26: {  	v4 =	vsub.f32 v4, v5;
	v5 =	vbroadcast v3, $0x1;
	v26 =	vbroadcast v3, $0x2  }
0x27: {  	v7 =	vsub.f32 v7, v9;
	v9 =	vsub.f32 v13, v17;
	v6 =	vmin.f32 v6, $9.999998800e-01  }
0x28: {  	v13 =	vbroadcast v3, $0x0;
	v28 =	vsub.f32 v28, v32;
	v12 =	vsub.f32 $1.000000000e+00, v6  }
0x29: {  	v16 =	vand.u32 $0x7FFFFF, v6;
	v14 =	vsel vm2, v15, v14;
	v4 =	vand.u32 $0x7FFFFFFF, v4  }
0x2a: {  	v15 =	vsel vm2, v22, v21;
	v1 =	vand.u32 $0x7FFFFFFF, v1;
	v5 =	vsel vm2, v13, v5  }
0x2b: {  	v7 =	vand.u32 $0x7FFFFFFF, v7;
	v2 =	vsel vm2, v25, v2;
	v9 =	vand.u32 $0x7FFFFFFF, v9  }
0x2c: {  	v6 =	vshrl.u32 v6, $0x17;
	vm3 =	vlt.f32 v4, $1.000000000e+00;
	v13 =	vadd.f32 $-5.000000000e-01, v1  }
0x2d: {  	v11 =	vsel vm1, v14, v11;
	v14 =	vadd.f32 $-5.000000000e-01, v4;
	v17 =	vmul.f32 $5.000000000e-01, v1  }
0x2e: {  	v21 =	vmul.f32 $5.000000000e-01, v9;
	vm4 =	vlt.f32 v7, $1.000000000e+00;
	v15 =	vsel vm1, v15, v19  }
0x2f: {  	v19 =	vmul.f32 $5.000000000e-01, v7;
	v22 =	vadd.f32 $-5.000000000e-01, v7;
	v25 =	vmul.f32 $5.000000000e-01, v4  }
0x30: {  	v27 =	vadd.f32 $-5.000000000e-01, v9;
	v5 =	vsel vm1, v5, v26;
	v21 =	vmul.f32 v21, v9  }
0x31: {  	vm5 =	vlt.f32 v9, $1.000000000e+00;
	v2 =	vsel vm1, v2, v24;
	v5 =	vsel vm0, v5, v23  }
0x32: {  	v20 =	vand.u32 $0x7FFFFF, v12;
	v9 =	vsel vm5, v21, v27;
	vm5 =	vgt.f32 v5, $0.0e+00  }
0x33: {  	v5 =	vmul.f32 v19, v7;
	v7 =	vnsel vm5, $0x0, v9;
	v9 =	vor.u32 $0x3F800000, v20  }
0x34: {  	v16 =	vor.u32 $0x3F800000, v16;
	v24 =	vld [tilespmem:s28+$0x2410];
	v2 =	vsel vm0, v2, v18;
	v18 =	vmul.f32 $5.000000000e-01, v9  }
0x35: {  	v10 =	vsel vm0, v15, v10;
	v19 =	vmul.f32 $5.000000000e-01, v16;
	v21 =	vld [tilespmem:s28+$0x10];
	vm5 =	vgt.f32 v9, $1.414213540e+00  }
0x36: {  	v5 =	vsel vm4, v5, v22;
	vm4 =	vgt.f32 v16, $1.414213540e+00;
	v9 =	vsel vm5, v18, v9  }
0x37: {  	vm6 =	vgt.f32 v2, $0.0e+00;
	v16 =	vsel vm4, v19, v16;
	v2 =	vadd.f32 $1.000000000e+00, v9  }
0x38: {  	v4 =	vmul.f32 v25, v4;
	v7 =	vadd.f32 v7, v0;
	v15 =	vadd.f32 $1.000000000e+00, v16  }
0x39: {  	v17 =	vmul.f32 v17, v1;
	v5 =	vnsel vm6, $0x0, v5;
	(erf) = vrcp.f32 v2  }
0x3a: {  	v5 =	vadd.f32 v5, v7;
	v21 =	vsub.f32 v21, v24;
	(erf) = vrcp.f32 v15  }
0x3b: {  	v9 =	vadd.f32 $-1.000000000e+00, v9;
	v2 =	vsel vm3, v4, v14;
	vm3 =	vgt.f32 v10, $0.0e+00  }
0x3c: {  	v10 =	vadd.f32 $-1.000000000e+00, v16;
	v21 =	vand.u32 $0x7FFFFFFF, v21;
	v2 =	vnsel vm3, $0x0, v2  }
0x3d: {  	vm3 =	vlt.f32 v1, $1.000000000e+00;
	v1 =	vsel vm0, v11, v8;
	v4 =	vadd.f32 v2, v5  }
0x3e: {  	v16 =	vld [tilespmem:s28+$0x2430];
	v5 =	vsel vm3, v17, v13;
	vm3 =	vgt.f32 v1, $0.0e+00;
	v1 =	vimm.s32 $0x0  }
0x3f: {  	v8 =	vshrl.u32 v12, $0x17;
	v13 =	vld [tilespmem:s28+$0x30];
	v5 =	vnsel vm3, $0x0, v5;
	v7 =	vsel vm4, $0x1, v1  }
0x40: {  	v2 =	vld [tilespmem:s24+$0x5100];
	v4 =	vadd.f32 v5, v4;
	v5 =	vsel vm5, $0x1, v1;
	v6 =	vadd.s32 v7, v6  }
0x41: {  	v52 =	vmul.f32 $5.000000000e-01, v21;
	v5 =	vadd.s32 v5, v8;
	v6 =	vadd.s32 $0xFFFFFF81, v6  }
0x42: {  	s26 =	simm.s32 $0x10;
	v53 =	vadd.f32 $-5.000000000e-01, v21;
	v5 =	vadd.s32 $0xFFFFFF81, v5;
	v6 =	vcvt.s32.f32 v6;
	v8 =	vpop (erf)  }
0x43: {  	s3 =	sand.u32 $0xFF0, s26;
	vm5 =	vlt.f32 v21, $1.000000000e+00;
	v5 =	vcvt.s32.f32 v5;
	v11 =	vmul.f32 v8, v9;
	v9 =	vpop (erf)  }
0x44: {  	v13 =	vsub.f32 v13, v16;
	v8 =	vmul.f32 $6.931471820e-01, v6;
	v6 =	vmul.f32 v9, v10;
	v10 =	vld [tilespmem:s3+$0x4800]  }
0x45: {  	vm3 =	vlt.f32 v2, $-1.000000000e+00;
	vm4 =	vgt.f32 v2, $-1.000000000e+00;
	v9 =	vmul.f32 $6.931471820e-01, v5  }
0x46: {  	v13 =	vand.u32 $0x7FFFFFFF, v13;
	v5 =	vmul.f32 v11, v11;
	v14 =	vmul.f32 v6, v6  }
0x47: {  	vm3 =	vmor vm4, vm3;
	vm4 =	vgt.f32 v3, $0.0e+00;
	v50 =	vmul.f32 $5.000000000e-01, v13  }
0x48: {  	v3 =	vsel vm3, $0x3F800000, v0;
	v18 =	vmul.f32 $1.111111120e-01, v5;
	v19 =	vmul.f32 $1.111111120e-01, v14  }
0x49: {  	v15 =	vsel vm4, $0x3F800000, v0;
	v22 =	vbroadcast v10, $0xF;
	v23 =	vbroadcast v10, $0xB  }
0x4a: {  	v17 =	vadd.f32 v3, v0;
	v25 =	vbroadcast v10, $0xE;
	v26 =	vbroadcast v10, $0xD  }
0x4b: {  	v3 =	vld [tilespmem:s28+$0x2420];
	v12 =	vadd.f32 v11, v11;
	v29 =	vbroadcast v10, $0xC;
	v30 =	vbroadcast v10, $0x7  }
0x4c: {  	v11 =	vadd.f32 v6, v6;
	v6 =	vld [tilespmem:s28+$0x20];
	v33 =	vbroadcast v10, $0xA;
	v34 =	vbroadcast v10, $0x9  }
0x4d: {  	v18 =	vadd.f32 $1.428571490e-01, v18;
	v36 =	vbroadcast v10, $0x8;
	v37 =	vbroadcast v10, $0x3  }
0x4e: {  	v20 =	vmax.f32 v10, $1.000000010e-07;
	v38 =	vbroadcast v10, $0x6;
	v16 =	vbroadcast v10, $0x5  }
0x4f: {  	v39 =	vbroadcast v10, $0x4;
	v40 =	vbroadcast v10, $0x2;
	v20 =	vmin.f32 v20, $9.999998800e-01  }
0x50: {  	v24 =	vbroadcast v10, $0x0;
	v19 =	vadd.f32 $1.428571490e-01, v19;
	v27 =	vsub.f32 $1.000000000e+00, v20  }
0x51: {  	v31 =	vand.u32 $0x7FFFFF, v20;
	v3 =	vsub.f32 v6, v3;
	v6 =	vbroadcast v10, $0x1  }
0x52: {  	v26 =	vsel vm2, v29, v26;
	v29 =	vsel vm2, v36, v34;
	v16 =	vsel vm2, v39, v16  }
0x53: {  	v18 =	vmul.f32 v18, v5;
	v25 =	vsel vm1, v26, v25;
	v26 =	vand.u32 $0x7FFFFFFF, v28  }
0x54: {  	v29 =	vsel vm1, v29, v33;
	v16 =	vsel vm1, v16, v38;
	v19 =	vmul.f32 v19, v14  }
0x55: {  	v35 =	vand.u32 $0x7FFFFF, v27;
	v3 =	vand.u32 $0x7FFFFFFF, v3;
	v6 =	vsel vm2, v24, v6  }
0x56: {  	v24 =	vadd.f32 $-5.000000000e-01, v13;
	v51 =	vmul.f32 $5.000000000e-01, v26;
	v41 =	vadd.f32 $-5.000000000e-01, v26  }
0x57: {  	vm6 =	vlt.f32 v26, $1.000000000e+00;
	v18 =	vadd.f32 $2.000000030e-01, v18;
	vm4 =	vlt.f32 v3, $1.000000000e+00  }
0x58: {  	v54 =	vmul.f32 $5.000000000e-01, v3;
	v6 =	vsel vm1, v6, v40;
	v34 =	vmul.f32 v51, v26  }
0x59: {  	v28 =	vadd.f32 $-5.000000000e-01, v3;
	v6 =	vsel vm0, v6, v37;
	v18 =	vmul.f32 v18, v5  }
0x5a: {  	v3 =	vmul.f32 v54, v3;
	v26 =	vsel vm6, v34, v41;
	vm6 =	vgt.f32 v6, $0.0e+00  }
0x5b: {  	v16 =	vsel vm0, v16, v30;
	v6 =	vmul.f32 v52, v21;
	v21 =	vnsel vm6, $0x0, v26  }
0x5c: {  	v18 =	vadd.f32 $3.333333430e-01, v18;
	v3 =	vsel vm4, v3, v28;
	v4 =	vadd.f32 v21, v4  }
0x5d: {  	v6 =	vsel vm5, v6, v53;
	vm5 =	vgt.f32 v16, $0.0e+00;
	v16 =	vsel vm0, v29, v23  }
0x5e: {  	v21 =	vmul.f32 v50, v13;
	v6 =	vnsel vm5, $0x0, v6;
	vm4 =	vgt.f32 v16, $0.0e+00  }
0x5f: {  	v16 =	vor.u32 $0x3F800000, v31;
	v4 =	vadd.f32 v6, v4;
	v3 =	vnsel vm4, $0x0, v3  }
0x60: {  	vm4 =	vlt.f32 v13, $1.000000000e+00;
	v6 =	vor.u32 $0x3F800000, v35;
	v13 =	vsel vm0, v25, v22  }
0x61: {  	v22 =	vmul.f32 $5.000000000e-01, v6;
	vm5 =	vgt.f32 v6, $1.414213540e+00;
	v21 =	vsel vm4, v21, v24  }
0x62: {  	vm6 =	vgt.f32 v13, $0.0e+00;
	v3 =	vadd.f32 v3, v4;
	v4 =	vmul.f32 $5.000000000e-01, v16  }
0x63: {  	vm4 =	vgt.f32 v16, $1.414213540e+00;
	v13 =	vnsel vm6, $0x0, v21;
	v6 =	vsel vm5, v22, v6  }
0x64: {  	v4 =	vsel vm4, v4, v16;
	v16 =	vadd.f32 $1.000000000e+00, v6;
	v13 =	vadd.f32 v13, v3  }
0x65: {  	v21 =	vadd.f32 $1.000000000e+00, v4;
	v22 =	vadd.f32 $-1.000000000e+00, v4  }
0x66: {  	v4 =	vadd.f32 $2.000000030e-01, v19;
	v19 =	vadd.f32 $-1.000000000e+00, v6;
	(erf) = vrcp.f32 v16  }
0x67: {  	v3 =	vld [tilespmem:s3+$0x5100];
	s3 =	simm.s32 $0x80;
	v6 =	vshrl.u32 v20, $0x17;
	v20 =	vshrl.u32 v27, $0x17;
	(erf) = vrcp.f32 v21  }
0x68: {  	v58 =	vld [tilespmem:s3+$0x0];
	s31 =	sand.u32 $0x3FC0, s3;
	v16 =	vsel vm5, $0x1, v1;
	v21 =	vsel vm4, $0x1, v1;
	v4 =	vmul.f32 v4, v14  }
0x69: {  	v18 =	vmul.f32 v18, v5;
	v60 =	vld [tilespmem:s31+$0x2400];
	v16 =	vadd.s32 v16, v20;
	v6 =	vadd.s32 v21, v6  }
0x6a: {  	v16 =	vadd.s32 $0xFFFFFF81, v16;
	v6 =	vadd.s32 $0xFFFFFF81, v6;
	v20 =	vadd.f32 $3.333333430e-01, v4  }
0x6b: {  	v7 =	vsub.f32 $1.000000000e+00, v2;
	v16 =	vcvt.s32.f32 v16;
	v6 =	vcvt.s32.f32 v6  }
0x6c: {  	vm3 =	vmmov vm3;
	vm4 =	vlt.f32 v3, $-1.000000000e+00;
	v14 =	vmul.f32 v20, v14  }
0x6d: {  	v5 =	vmul.f32 $6.931471820e-01, v6;
	v6 =	vmul.f32 $6.931471820e-01, v16;
	v16 =	vadd.f32 $1.000000000e+00, v18  }
0x6e: {  	s29 =	simm.s32 $0x20;
	vm5 =	vgt.f32 v3, $-1.000000000e+00;
	v44 =	vsub.f32 v58, v60;
	v14 =	vadd.f32 $1.000000000e+00, v14  }
0x6f: {  	s30 =	sand.u32 $0xFF0, s29;
	vm4 =	vmor vm5, vm4;
	vm5 =	vgt.f32 v10, $0.0e+00;
	v10 =	vmul.f32 v16, v12;
	v18 =	vpop (erf)  }
0x70: {  	v41 =	vand.u32 $0x7FFFFFFF, v44;
	v20 =	vmul.f32 v14, v11;
	v11 =	vld [tilespmem:s30+$0x4800];
	v18 =	vmul.f32 v18, v19;
	v19 =	vpop (erf)  }
0x71: {  	v15 =	vadd.f32 v15, v0;
	v44 =	vmul.f32 $5.000000000e-01, v41;
	v16 =	vmul.f32 v19, v22  }
0x72: {  	v27 =	vld [tilespmem:s3+$0x30];
	v19 =	vsel vm4, $0x3F800000, v0;
	v22 =	vadd.f32 v10, v9;
	v8 =	vadd.f32 v20, v8  }
0x73: {  	v28 =	vld [tilespmem:s3+$0x2430];
	v12 =	vmul.f32 v18, v18;
	v14 =	vmul.f32 v16, v16;
	v10 =	vadd.f32 v16, v16  }
0x74: {  	v16 =	vmul.f32 v22, v7;
	v7 =	vadd.f32 v19, v17;
	v17 =	vmul.f32 v8, v2  }
0x75: {  	v9 =	vadd.f32 v18, v18;
	v18 =	vmul.f32 $1.111111120e-01, v12;
	v22 =	vbroadcast v11, $0xF  }
0x76: {  	vm3 =	vmmov vm3;
	v24 =	vbroadcast v11, $0xB;
	v56 =	vbroadcast v11, $0xE  }
0x77: {  	v4 =	vsub.f32 $1.000000000e+00, v3;
	v57 =	vbroadcast v11, $0xD;
	v59 =	vbroadcast v11, $0xC  }
0x78: {  	v27 =	vsub.f32 v27, v28;
	v26 =	vbroadcast v11, $0x7;
	v61 =	vbroadcast v11, $0xA  }
0x79: {  	v31 =	vld [tilespmem:s3+$0x20];
	v21 =	vsel vm5, $0x3F800000, v0;
	v62 =	vbroadcast v11, $0x9;
	v63 =	vbroadcast v11, $0x8  }
0x7a: {  	v27 =	vand.u32 $0x7FFFFFFF, v27;
	v2 =	vld [tilespmem:s3+$0x2420];
	v29 =	vbroadcast v11, $0x3;
	v30 =	vbroadcast v11, $0x6  }
0x7b: {  	v8 =	vadd.f32 v21, v15;
	v28 =	vbroadcast v11, $0x5;
	v42 =	vbroadcast v11, $0x4  }
0x7c: {  	v55 =	vld [tilespmem:s3+$0x10];
	v15 =	vmax.f32 v11, $1.000000010e-07;
	v34 =	vbroadcast v11, $0x2;
	v23 =	vmul.f32 $1.111111120e-01, v14  }
0x7d: {  	v43 =	vbroadcast v11, $0x0;
	v20 =	vadd.f32 $1.428571490e-01, v18;
	v18 =	vmin.f32 v15, $9.999998800e-01;
	v15 =	vld [tilespmem:s3+$0x2410]  }
0x7e: {  	v35 =	vsel vm2, v59, v57;
	v38 =	vsel vm2, v42, v28;
	v19 =	vsub.f32 $1.000000000e+00, v18  }
0x7f: {  	v28 =	vadd.f32 $-5.000000000e-01, v27;
	v2 =	vsub.f32 v31, v2;
	v31 =	vbroadcast v11, $0x1  }
0x80: {  	v21 =	vadd.f32 $1.428571490e-01, v23;
	v23 =	vand.u32 $0x7FFFFF, v18;
	v25 =	vand.u32 $0x7FFFFF, v19  }
0x81: {  	v32 =	vand.u32 $0x7FFFFFFF, v2;
	v2 =	vsel vm2, v63, v62;
	v39 =	vsel vm2, v43, v31  }
0x82: {  	v31 =	vsel vm1, v35, v56;
	v35 =	vmul.f32 $5.000000000e-01, v27;
	v15 =	vsub.f32 v55, v15  }
0x83: {  	vm6 =	vlt.f32 v32, $1.000000000e+00;
	v33 =	vadd.f32 $-5.000000000e-01, v32;
	v37 =	vsel vm1, v2, v61  }
0x84: {  	s2 =	sadd.s32 $0x9600, s2;
	v43 =	vmul.f32 $5.000000000e-01, v32;
	v36 =	vand.u32 $0x7FFFFFFF, v15;
	v15 =	vimm.f32 $0.0e+00  }
0x85: {  	s5 =	simm.s32 $0x30;
	s6 =	simm.s32 $0x40;
	s4 =	simm.s32 $0x80;
	v2 =	vld [tilespmem:s30+$0x5100];
	vm7 =	vlt.f32 v36, $1.000000000e+00;
	v42 =	vmul.f32 $5.000000000e-01, v36;
	v40 =	vadd.f32 $-5.000000000e-01, v36  }
.LBB2_1:
0x86: {  	v44 =	vmul.f32 v44, v41  }
0x87: {  	p0 =	sne.s32 s6, $0x8F0;
	v45 =	vadd.f32 $-5.000000000e-01, v41;
	v34 =	vsel vm1, v39, v34;
	vm5 =	vmmov vm4  }
0x88: {  	vm4 =	vlt.f32 v41, $1.000000000e+00;
	v30 =	vsel vm1, v38, v30;
	v29 =	vsel vm0, v34, v29  }
0x89: {  	v34 =	vsel vm4, v44, v45;
	vm4 =	vgt.f32 v29, $0.0e+00;
	v29 =	vmul.f32 v42, v36  }
0x8a: {  	v26 =	vsel vm0, v30, v26;
	v30 =	vmul.f32 v43, v32;
	v34 =	vnsel vm4, $0x0, v34  }
0x8b: {  	vm4 =	vgt.f32 v26, $0.0e+00;
	v13 =	vadd.f32 v34, v13;
	v29 =	vsel vm7, v29, v40  }
0x8c: {  	v24 =	vsel vm0, v37, v24;
	v26 =	vnsel vm4, $0x0, v29;
	v29 =	vmul.f32 v35, v27  }
0x8d: {  	vm4 =	vgt.f32 v24, $0.0e+00;
	v13 =	vadd.f32 v26, v13;
	v26 =	vsel vm6, v30, v33  }
0x8e: {  	v22 =	vsel vm0, v31, v22;
	v24 =	vnsel vm4, $0x0, v26;
	vm4 =	vlt.f32 v27, $1.000000000e+00  }
0x8f: {  	v13 =	vadd.f32 v24, v13;
	v24 =	vsel vm4, v29, v28;
	vm4 =	vgt.f32 v22, $0.0e+00  }
0x90: {  	v22 =	vor.u32 $0x3F800000, v23;
	v23 =	vor.u32 $0x3F800000, v25;
	v24 =	vnsel vm4, $0x0, v24  }
0x91: {  	v25 =	vmul.f32 $5.000000000e-01, v22;
	v26 =	vmul.f32 $5.000000000e-01, v23;
	v13 =	vadd.f32 v24, v13  }
0x92: {  	v20 =	vmul.f32 v20, v12;
	vm4 =	vgt.f32 v22, $1.414213540e+00;
	vm6 =	vgt.f32 v23, $1.414213540e+00  }
0x93: {  	v21 =	vmul.f32 v21, v14;
	v22 =	vsel vm4, v25, v22;
	v23 =	vsel vm6, v26, v23  }
0x94: {  	v25 =	vsel vm6, $0x1, v1;
	v24 =	vadd.f32 $1.000000000e+00, v22;
	v26 =	vadd.f32 $1.000000000e+00, v23  }
0x95: {  	v27 =	vsel vm4, $0x1, v1;
	v22 =	vadd.f32 $-1.000000000e+00, v22;
	v23 =	vadd.f32 $-1.000000000e+00, v23  }
0x96: {  	v21 =	vadd.f32 $2.000000030e-01, v21;
	v20 =	vadd.f32 $2.000000030e-01, v20;
	(erf) = vrcp.f32 v26  }
0x97: {  	v18 =	vshrl.u32 v18, $0x17;
	v19 =	vshrl.u32 v19, $0x17;
	(erf) = vrcp.f32 v24  }
0x98: {  	v21 =	vmul.f32 v21, v14;
	v20 =	vmul.f32 v20, v12;
	v19 =	vadd.s32 v25, v19  }
0x99: {  	v18 =	vadd.s32 v27, v18;
	v19 =	vadd.s32 $0xFFFFFF81, v19;
	v24 =	vsub.f32 $1.000000000e+00, v2  }
0x9a: {  	v21 =	vadd.f32 $3.333333430e-01, v21;
	v20 =	vadd.f32 $3.333333430e-01, v20;
	v18 =	vadd.s32 $0xFFFFFF81, v18  }
0x9b: {  	v16 =	vadd.f32 v16, v17;
	v18 =	vcvt.s32.f32 v18;
	v19 =	vcvt.s32.f32 v19  }
0x9c: {  	v14 =	vmul.f32 v21, v14;
	v12 =	vmul.f32 v20, v12;
	vm4 =	vlt.f32 v2, $-1.000000000e+00  }
0x9d: {  	v16 =	vsub.f32 $0.0e+00, v16;
	v17 =	vmul.f32 $6.931471820e-01, v18;
	v18 =	vmul.f32 $6.931471820e-01, v19  }
0x9e: {  	v14 =	vadd.f32 $1.000000000e+00, v14;
	v12 =	vadd.f32 $1.000000000e+00, v12;
	vm6 =	vgt.f32 v2, $-1.000000000e+00  }
0x9f: {  	vm4 =	vmor vm6, vm4;
	vm6 =	vgt.f32 v11, $0.0e+00;
	v19 =	vnsel vm3, $0x0, v16;
	v11 =	vpop (erf)  }
0xa0: {  	v21 =	vmul.f32 v12, v9;
	v20 =	vsel vm4, $0x3F800000, v0;
	v16 =	vmul.f32 v11, v23;
	v11 =	vpop (erf)  }
0xa1: {  	s7 =	sand.u32 $0xFF0, s5;
	s5 =	smov.u32 s6;
	v25 =	vmul.f32 v14, v10;
	v23 =	vsel vm6, $0x3F800000, v0;
	v22 =	vmul.f32 v11, v22  }
0xa2: {  	s3 =	sadd.s32 $0x40, s3;
	v11 =	vld [tilespmem:s7+$0x4800];
	v12 =	vmul.f32 v16, v16;
	v9 =	vadd.f32 v16, v16;
	v16 =	vadd.f32 v21, v6;
	v6 =	vmovc v18  }
0xa3: {  	v18 =	vadd.f32 v25, v5;
	v5 =	vmovc v17;
	v27 =	vld [tilespmem:s3+$0x30];
	v14 =	vmul.f32 v22, v22;
	v10 =	vadd.f32 v22, v22  }
0xa4: {  	v15 =	vadd.f32 v19, v15;
	v28 =	vld [tilespmem:s3+$0x2430];
	v21 =	vmul.f32 $1.111111120e-01, v12;
	v16 =	vmul.f32 v16, v4;
	v4 =	vmovc v24  }
0xa5: {  	v7 =	vadd.f32 v20, v7;
	v17 =	vmul.f32 v18, v3;
	v3 =	vmovc v2;
	v31 =	vld [tilespmem:s3+$0x20];
	v19 =	vmul.f32 $1.111111120e-01, v14  }
0xa6: {  	vm3 =	vmmov vm5;
	v8 =	vadd.f32 v23, v8;
	v32 =	vld [tilespmem:s3+$0x2420];
	v20 =	vadd.f32 $1.428571490e-01, v21  }
0xa7: {  	v2 =	vmax.f32 v11, $1.000000010e-07;
	v33 =	vld [tilespmem:s3+$0x10];
	v22 =	vbroadcast v11, $0xF;
	v21 =	vadd.f32 $1.428571490e-01, v19  }
0xa8: {  	s4 =	sadd.s32 $0x40, s4;
	v24 =	vbroadcast v11, $0xB;
	v37 =	vbroadcast v11, $0xE;
	v18 =	vmin.f32 v2, $9.999998800e-01;
	v35 =	vld [tilespmem:s3+$0x2410]  }
0xa9: {  	s8 =	sand.u32 $0x3FC0, s4;
	v38 =	vbroadcast v11, $0xD;
	v39 =	vbroadcast v11, $0xC;
	v19 =	vsub.f32 $1.000000000e+00, v18;
	v36 =	vld [tilespmem:s3+$0x0]  }
0xaa: {  	v26 =	vbroadcast v11, $0x7;
	v42 =	vbroadcast v11, $0xA;
	v23 =	vand.u32 $0x7FFFFF, v18;
	v40 =	vld [tilespmem:s8+$0x2400]  }
0xab: {  	v41 =	vbroadcast v11, $0x9;
	v43 =	vbroadcast v11, $0x8;
	v2 =	vld [tilespmem:s7+$0x5100];
	v25 =	vand.u32 $0x7FFFFF, v19  }
0xac: {  	v29 =	vbroadcast v11, $0x3;
	v30 =	vbroadcast v11, $0x6;
	v27 =	vsub.f32 v27, v28  }
0xad: {  	v44 =	vbroadcast v11, $0x4;
	v28 =	vbroadcast v11, $0x5;
	v31 =	vsub.f32 v31, v32  }
0xae: {  	v45 =	vbroadcast v11, $0x1;
	v34 =	vbroadcast v11, $0x2;
	v33 =	vsub.f32 v33, v35  }
0xaf: {  	v35 =	vsub.f32 v36, v40;
	v36 =	vbroadcast v11, $0x0;
	v40 =	vsel vm2, v39, v38  }
0xb0: {  	v43 =	vsel vm2, v43, v41;
	v27 =	vand.u32 $0x7FFFFFFF, v27;
	v32 =	vand.u32 $0x7FFFFFFF, v31  }
.Ltmp0:
0xb1: {  	v38 =	vsel vm2, v44, v28;
	v39 =	vsel vm2, v36, v45;
	v36 =	vand.u32 $0x7FFFFFFF, v33;
	(pc) =	sbr.rel @p0 .LBB2_1-.Ltmp0, $4  }
0xb2: {  	vm6 =	vlt.f32 v32, $1.000000000e+00;
	v28 =	vadd.f32 $-5.000000000e-01, v27;
	v31 =	vsel vm1, v40, v37  }
0xb3: {  	v41 =	vand.u32 $0x7FFFFFFF, v35;
	v33 =	vadd.f32 $-5.000000000e-01, v32;
	v35 =	vmul.f32 $5.000000000e-01, v27  }
0xb4: {  	v37 =	vsel vm1, v43, v42;
	v44 =	vmul.f32 $5.000000000e-01, v41;
	vm7 =	vlt.f32 v36, $1.000000000e+00  }
0xb5: {  	s6 =	sadd.s32 $0x10, s6;
	v43 =	vmul.f32 $5.000000000e-01, v32;
	v42 =	vmul.f32 $5.000000000e-01, v36;
	v40 =	vadd.f32 $-5.000000000e-01, v36  }
0xb6: {  	v44 =	vmul.f32 v44, v41  }
0xb7: {  	v45 =	vadd.f32 $-5.000000000e-01, v41;
	v34 =	vsel vm1, v39, v34;
	vm4 =	vmmov vm4  }
0xb8: {  	vm5 =	vlt.f32 v41, $1.000000000e+00;
	v30 =	vsel vm1, v38, v30;
	v24 =	vsel vm0, v37, v24  }
0xb9: {  	vm12 =	vlt.f32 v27, $1.000000000e+00;
	v22 =	vsel vm0, v31, v22;
	v23 =	vor.u32 $0x3F800000, v23  }
0xba: {  	v25 =	vor.u32 $0x3F800000, v25;
	v37 =	vmul.f32 v20, v12;
	v21 =	vmul.f32 v21, v14  }
0xbb: {  	v18 =	vshrl.u32 v18, $0x17;
	v19 =	vshrl.u32 v19, $0x17;
	v16 =	vadd.f32 v16, v17  }
0xbc: {  	v29 =	vsel vm0, v34, v29;
	v62 =	vmul.f32 v42, v36;
	v26 =	vsel vm0, v30, v26  }
0xbd: {  	v63 =	vmul.f32 v43, v32;
	v32 =	vmul.f32 v35, v27;
	vm11 =	vgt.f32 v24, $0.0e+00  }
0xbe: {  	vm13 =	vgt.f32 v22, $0.0e+00;
	v35 =	vmul.f32 $5.000000000e-01, v23;
	v36 =	vmul.f32 $5.000000000e-01, v25  }
0xbf: {  	vm14 =	vgt.f32 v23, $1.414213540e+00;
	vm15 =	vgt.f32 v25, $1.414213540e+00;
	v61 =	vsel vm5, v44, v45  }
0xc0: {  	vm9 =	vgt.f32 v29, $0.0e+00;
	vm10 =	vgt.f32 v26, $0.0e+00;
	v41 =	vsel vm14, $0x1, v1  }
0xc1: {  	v21 =	vadd.f32 $2.000000030e-01, v21;
	v16 =	vsub.f32 $0.0e+00, v16;
	v34 =	vnsel vm9, $0x0, v61  }
0xc2: {  	v29 =	vsel vm7, v62, v40;
	v33 =	vsel vm6, v63, v33;
	v38 =	vsel vm14, v35, v23  }
0xc3: {  	v39 =	vsel vm15, v36, v25;
	v40 =	vsel vm15, $0x1, v1;
	v13 =	vadd.f32 v34, v13  }
0xc4: {  	v18 =	vadd.s32 v41, v18;
	vm9 =	vlt.f32 v2, $-1.000000000e+00;
	v26 =	vnsel vm10, $0x0, v29  }
0xc5: {  	v24 =	vnsel vm11, $0x0, v33;
	v20 =	vadd.f32 $-1.000000000e+00, v38;
	v13 =	vadd.f32 v26, v13  }
0xc6: {  	v34 =	vsel vm12, v32, v28;
	v23 =	vadd.f32 $-1.000000000e+00, v39;
	v26 =	vadd.f32 $1.000000000e+00, v39  }
0xc7: {  	s3 =	sadd.s32 $0x40, s3;
	v19 =	vadd.s32 v40, v19;
	v21 =	vmul.f32 v21, v14;
	v13 =	vadd.f32 v24, v13  }
0xc8: {  	v59 =	vld [tilespmem:s3+$0x10];
	v22 =	vnsel vm13, $0x0, v34;
	v24 =	vadd.f32 $1.000000000e+00, v38;
	(erf) = vrcp.f32 v26  }
0xc9: {  	v61 =	vld [tilespmem:s3+$0x2410];
	v18 =	vadd.s32 $0xFFFFFF81, v18;
	v22 =	vadd.f32 v22, v13;
	v13 =	vadd.f32 $2.000000030e-01, v37  }
0xca: {  	vm10 =	vgt.f32 v2, $-1.000000000e+00;
	v21 =	vadd.f32 $3.333333430e-01, v21;
	(erf) = vrcp.f32 v24  }
0xcb: {  	vm11 =	vgt.f32 v11, $0.0e+00;
	v47 =	vnsel vm3, $0x0, v16;
	v42 =	vmul.f32 v13, v12  }
0xcc: {  	vm3 =	vmmov vm4;
	v19 =	vadd.s32 $0xFFFFFF81, v19;
	v43 =	vmul.f32 v21, v14  }
0xcd: {  	v57 =	vld [tilespmem:s3+$0x20];
	v18 =	vcvt.s32.f32 v18;
	vm5 =	vmor vm10, vm9;
	v24 =	vadd.f32 $3.333333430e-01, v42  }
0xce: {  	v58 =	vld [tilespmem:s3+$0x2420];
	v50 =	vsel vm11, $0x3F800000, v0;
	v30 =	vsub.f32 v59, v61;
	v17 =	vadd.f32 $1.000000000e+00, v43  }
0xcf: {  	v19 =	vcvt.s32.f32 v19;
	v48 =	vsel vm5, $0x3F800000, v0;
	v44 =	vmul.f32 v24, v12  }
0xd0: {  	vm13 =	vmmov vm5;
	v30 =	vand.u32 $0x7FFFFFFF, v30;
	v10 =	vmul.f32 v17, v10  }
0xd1: {  	v14 =	vmul.f32 $6.931471820e-01, v19;
	vm8 =	vlt.f32 v30, $1.000000000e+00;
	v46 =	vpop (erf);
	v45 =	vadd.f32 $1.000000000e+00, v44  }
0xd2: {  	v13 =	vsub.f32 $1.000000000e+00, v2;
	v51 =	vadd.f32 v10, v5;
	v11 =	vmul.f32 v46, v23  }
0xd3: {  	s5 =	sand.u32 $0xFF0, s5;
	v12 =	vmul.f32 $6.931471820e-01, v18;
	v23 =	vsub.f32 v57, v58;
	v49 =	vpop (erf);
	v18 =	vmul.f32 v45, v9  }
0xd4: {  	v5 =	vadd.f32 v47, v15;
	v16 =	vmul.f32 v49, v20;
	v9 =	vld [tilespmem:s5+$0x4800];
	v17 =	vmul.f32 v11, v11  }
0xd5: {  	v11 =	vadd.f32 v11, v11;
	v23 =	vand.u32 $0x7FFFFFFF, v23;
	v6 =	vadd.f32 v18, v6  }
0xd6: {  	vm12 =	vlt.f32 v23, $1.000000000e+00;
	v46 =	vadd.f32 $-5.000000000e-01, v23;
	v18 =	vmul.f32 v16, v16  }
0xd7: {  	v54 =	vld [tilespmem:s3+$0x30];
	v16 =	vadd.f32 v16, v16;
	v52 =	vmul.f32 $1.111111120e-01, v17;
	v10 =	vmul.f32 v6, v4  }
0xd8: {  	v55 =	vld [tilespmem:s3+$0x2430];
	v53 =	vmul.f32 $1.111111120e-01, v18;
	v4 =	vadd.f32 v48, v7;
	v7 =	vmul.f32 v51, v3  }
0xd9: {  	v21 =	vadd.f32 $1.428571490e-01, v52;
	v3 =	vadd.f32 v50, v8;
	v6 =	vbroadcast v9, $0xF  }
0xda: {  	v56 =	vmax.f32 v9, $1.000000010e-07;
	v24 =	vbroadcast v9, $0xB;
	v25 =	vbroadcast v9, $0xE  }
0xdb: {  	v28 =	vbroadcast v9, $0xD;
	v29 =	vbroadcast v9, $0xC;
	v20 =	vmin.f32 v56, $9.999998800e-01  }
0xdc: {  	v32 =	vbroadcast v9, $0x7;
	v33 =	vbroadcast v9, $0xA;
	v27 =	vsub.f32 $1.000000000e+00, v20  }
0xdd: {  	v8 =	vsub.f32 v54, v55;
	v63 =	vbroadcast v9, $0x9;
	v48 =	vbroadcast v9, $0x8  }
0xde: {  	v39 =	vbroadcast v9, $0x3;
	v40 =	vbroadcast v9, $0x6;
	v62 =	vand.u32 $0x7FFFFF, v27  }
0xdf: {  	v45 =	vld [tilespmem:s5+$0x5100];
	v51 =	vbroadcast v9, $0x5;
	v60 =	vand.u32 $0x7FFFFF, v20;
	v35 =	vor.u32 $0x3F800000, v62  }
0xe0: {  	v15 =	vadd.f32 $1.428571490e-01, v53;
	v53 =	vor.u32 $0x3F800000, v60;
	v54 =	vmul.f32 $5.000000000e-01, v35  }
0xe1: {  	v52 =	vbroadcast v9, $0x4;
	v56 =	vmul.f32 $5.000000000e-01, v53;
	vm4 =	vgt.f32 v35, $1.414213540e+00  }
0xe2: {  	v55 =	vbroadcast v9, $0x1;
	vm6 =	vgt.f32 v53, $1.414213540e+00;
	v31 =	vsel vm4, v54, v35  }
0xe3: {  	v57 =	vbroadcast v9, $0x2;
	v26 =	vsel vm6, v56, v53;
	v58 =	vadd.f32 $1.000000000e+00, v31  }
0xe4: {  	s4 =	sadd.s32 $0x40, s4;
	v59 =	vbroadcast v9, $0x0;
	vm10 =	vlt.f32 v45, $-1.000000000e+00;
	v60 =	vadd.f32 $1.000000000e+00, v26  }
0xe5: {  	s26 =	sand.u32 $0x3FC0, s4;
	v49 =	vld [tilespmem:s3+$0x0];
	vm11 =	vgt.f32 v45, $-1.000000000e+00;
	v8 =	vand.u32 $0x7FFFFFFF, v8;
	(erf) = vrcp.f32 v58  }
0xe6: {  	v50 =	vld [tilespmem:s26+$0x2400];
	v21 =	vmul.f32 v21, v17;
	v7 =	vadd.f32 v10, v7;
	(erf) = vrcp.f32 v60  }
0xe7: {  	v28 =	vsel vm2, v29, v28;
	v61 =	vsel vm2, v48, v63;
	v63 =	vsel vm2, v52, v51  }
0xe8: {  	v36 =	vadd.f32 $-5.000000000e-01, v8;
	v47 =	vmul.f32 $5.000000000e-01, v8;
	v51 =	vmul.f32 $5.000000000e-01, v23  }
0xe9: {  	v20 =	vshrl.u32 v20, $0x17;
	vm9 =	vlt.f32 v8, $1.000000000e+00;
	v25 =	vsel vm1, v28, v25  }
0xea: {  	v29 =	vsel vm1, v61, v33;
	v15 =	vmul.f32 v15, v18;
	v21 =	vadd.f32 $2.000000030e-01, v21  }
0xeb: {  	v7 =	vsub.f32 $0.0e+00, v7;
	v19 =	vsub.f32 v49, v50;
	v49 =	vmul.f32 $5.000000000e-01, v30  }
0xec: {  	v50 =	vadd.f32 $-5.000000000e-01, v30;
	v23 =	vmul.f32 v51, v23;
	v61 =	vmul.f32 v47, v8  }
0xed: {  	v24 =	vsel vm0, v29, v24;
	v27 =	vshrl.u32 v27, $0x17;
	v6 =	vsel vm0, v25, v6  }
0xee: {  	v62 =	vsel vm2, v59, v55;
	v26 =	vadd.f32 $-1.000000000e+00, v26;
	v31 =	vadd.f32 $-1.000000000e+00, v31;
	v54 =	vpop (erf)  }
0xef: {  	v15 =	vadd.f32 $2.000000030e-01, v15;
	v21 =	vmul.f32 v21, v17;
	v7 =	vnsel vm3, $0x0, v7;
	v56 =	vpop (erf)  }
0xf0: {  	v19 =	vand.u32 $0x7FFFFFFF, v19;
	v31 =	vmul.f32 v54, v31;
	v26 =	vmul.f32 v56, v26  }
0xf1: {  	vm2 =	vmmov vm13;
	v55 =	vmul.f32 v49, v30;
	v48 =	vmul.f32 $5.000000000e-01, v19  }
0xf2: {  	v34 =	vsel vm1, v62, v57;
	v59 =	vmul.f32 v31, v31;
	v60 =	vmul.f32 v26, v26  }
0xf3: {  	v52 =	vadd.f32 $-5.000000000e-01, v19;
	vm14 =	vlt.f32 v19, $1.000000000e+00;
	v53 =	vsel vm0, v34, v39  }
0xf4: {  	v35 =	vsel vm1, v63, v40;
	v62 =	vmul.f32 $1.111111120e-01, v59;
	v63 =	vmul.f32 $1.111111120e-01, v60  }
0xf5: {  	v39 =	vsel vm6, $0x1, v1;
	v15 =	vmul.f32 v15, v18;
	v40 =	vadd.f32 $3.333333430e-01, v21  }
0xf6: {  	v58 =	vsel vm0, v35, v32;
	v35 =	vadd.f32 $1.428571490e-01, v62;
	v37 =	vadd.f32 $1.428571490e-01, v63  }
0xf7: {  	v38 =	vmul.f32 v48, v19;
	v19 =	vsel vm8, v55, v50;
	vm8 =	vgt.f32 v24, $0.0e+00  }
0xf8: {  	v15 =	vadd.f32 $3.333333430e-01, v15;
	v24 =	vmul.f32 v35, v59;
	v28 =	vmul.f32 v37, v60  }
0xf9: {  	vm15 =	vgt.f32 v53, $0.0e+00;
	v17 =	vmul.f32 v40, v17;
	v38 =	vsel vm14, v38, v52  }
0xfa: {  	v15 =	vmul.f32 v15, v18;
	v24 =	vadd.f32 $2.000000030e-01, v24;
	v28 =	vadd.f32 $2.000000030e-01, v28  }
0xfb: {  	v57 =	vnsel vm15, $0x0, v38;
	v38 =	vsel vm4, $0x1, v1;
	v1 =	vadd.s32 v39, v20  }
0xfc: {  	v27 =	vadd.s32 v38, v27;
	v24 =	vmul.f32 v24, v59;
	v41 =	vmul.f32 v28, v60  }
0xfd: {  	v17 =	vadd.f32 $1.000000000e+00, v17;
	v1 =	vadd.s32 $0xFFFFFF81, v1;
	v27 =	vadd.s32 $0xFFFFFF81, v27  }
0xfe: {  	v1 =	vcvt.s32.f32 v1;
	v43 =	vadd.f32 $3.333333430e-01, v24;
	v42 =	vadd.f32 $3.333333430e-01, v41  }
0xff: {  	v15 =	vadd.f32 $1.000000000e+00, v15;
	v11 =	vmul.f32 v17, v11;
	v44 =	vcvt.s32.f32 v27  }
0x100: {  	v23 =	vsel vm12, v23, v46;
	v20 =	vmul.f32 v43, v59;
	v18 =	vmul.f32 v42, v60  }
0x101: {  	v15 =	vmul.f32 v15, v16;
	v46 =	vadd.f32 v31, v31;
	v26 =	vadd.f32 v26, v26  }
0x102: {  	v1 =	vmul.f32 $6.931471820e-01, v1;
	v48 =	vadd.f32 $1.000000000e+00, v20;
	v47 =	vadd.f32 $1.000000000e+00, v18  }
0x103: {  	v11 =	vadd.f32 v11, v14;
	v49 =	vmul.f32 $6.931471820e-01, v44;
	v12 =	vadd.f32 v15, v12  }
0x104: {  	v5 =	vadd.f32 v7, v5;
	v50 =	vmul.f32 v48, v46;
	v51 =	vmul.f32 v47, v26  }
0x105: {  	v52 =	vsub.f32 $1.000000000e+00, v45;
	v53 =	vmul.f32 v11, v13;
	v54 =	vmul.f32 v12, v2  }
0x106: {  	vm12 =	vmor vm11, vm10;
	v55 =	vadd.f32 v50, v49;
	v1 =	vadd.f32 v51, v1  }
0x107: {  	vm14 =	vgt.f32 v6, $0.0e+00;
	vm5 =	vgt.f32 v58, $0.0e+00;
	v2 =	vadd.f32 v53, v54  }
0x108: {  	vm4 =	vmmov vm12;
	v58 =	vmul.f32 v55, v52;
	v1 =	vmul.f32 v1, v45  }
0x109: {  	vm15 =	vgt.f32 v9, $0.0e+00;
	v22 =	vadd.f32 v57, v22;
	v2 =	vsub.f32 $0.0e+00, v2  }
0x10a: {  	v19 =	vnsel vm5, $0x0, v19;
	v57 =	vnsel vm8, $0x0, v23;
	v1 =	vadd.f32 v58, v1  }
0x10b: {  	vm13 =	vmmov vm4;
	v56 =	vadd.f32 v19, v22;
	v2 =	vnsel vm2, $0x0, v2  }
0x10c: {  	v2 =	vadd.f32 v2, v5;
	v63 =	vsel vm15, $0x3F800000, v0;
	v1 =	vsub.f32 $0.0e+00, v1  }
0x10d: {  	v60 =	vsel vm9, v61, v36;
	v61 =	vsel vm12, $0x3F800000, v0;
	v0 =	vadd.f32 v63, v3  }
0x10e: {  	v59 =	vadd.f32 v57, v56;
	v4 =	vadd.f32 v61, v4;
	v1 =	vnsel vm13, $0x0, v1  }
0x10f: {  	v62 =	vnsel vm14, $0x0, v60;
	[tilespmem:$0x5A30] =	vst v0;
	v1 =	vadd.f32 v1, v2  }
0x110: {  	[tilespmem:$0x5A10] =	vst v4;
	v2 =	vadd.f32 v62, v59  }
0x111: {  	s28 =	sshll.u32 s0, $0x3;
	s29 =	simm.s32 $0x0;
	[tilespmem:$0x5A00] =	vst v1  }
0x112: {  	s30 =	simm.s32 $0x5A00;
	s31 =	simm.s32 $0x2;
	s2 =	sadd.s32 s2, s28;
	[tilespmem:$0x5A20] =	vst v2  }
0x113: {  	[hbm4b:s2+s29] =	stream.linear.scatter [tilespmem:s30], [sflag:$0x2], $0x40, $0x38;
	[tilespmem:$0x5A80] =	vst v63  }
0x114: {  	_ =	swait.ge [sflag:s31], $0x40  }
0x115: {  	[sflag:s31] =	ssyncset.done $0x0  }
0x116: {  	[sflag:s31] =	ssyncadd.s32 $0xFFFFFFC0  }
0x117: {  	_ =	sfence.sel $0x180000  }
0x118: {  	[bflag:$0x0] =	sbarrier.arrive $0xFFFF  }
0x119: {  	p0 =	sne.s32 s0, $0x0;
	_ =	strace $0x90000047  }
0x11a: {  	s0 =	sadd.s32 @!p0 $0x100000, s1;
	[bflag:$0x2] =	sbarrier.arrive $0xFFFF  }
0x11b: {  	[sflag:s0] =	ssyncadd.tile.s32 @!p0 $0x1;
	_ =	shalt  }
.Lfunc_end2:
_tile_overlayer_lowered:
.L_overlay_start_2:
0x11c: {  	(tag) =	ssettag $0x2  }
0x11d: {  	s0 =	rddreg [dreg:$0x0];
	s2 =	stileid.u32  }
0x11e: {  	s1 =	rddreg [dreg:$0x1];
	p0 =	sne.s32 s2, $0x0  }
0x11f: {  	s3 =	rddreg [dreg:$0x2];
	[bflag:$0x3] =	sbarrier.arrive $0xFFFF;
	s2 =	simm.s32 @!p0 $0x1C02  }
0x120: {  	[timem:s3], [sflag:s2] =	dma.local @!p0 [hbm:s0], s1  }
0x121: {  	s0 =	simm.s32 @!p0 $0x2  }
0x122: {  	_ =	swait.ge @!p0 [sflag:s0], s1  }
0x123: {  	s1 =	ssub.s32 @!p0 $0x0, s1;
	[sflag:s0] =	ssyncset.done @!p0 $0x0  }
0x124: {  	[sflag:s0] =	ssyncadd.s32 @!p0 s1  }
0x125: {  	[bflag:$0x3] =	sbarrier.arrive $0xFFFF  }
0x126: {  	_ =	shalt  }

</sc_bundles>
